<compile_context>
chip_gen: v7x
topology: tpu7x:2x2x1
jax: 0.10.2.dev20260603
libtpu: 0.0.44.dev20260713+nightly
codegen_flags: <defaults>
</compile_context>

<pallas_src>
import functools

import jax
import jax.numpy as jnp
from jax import lax
from jax.experimental import pallas as pl
from jax.experimental.pallas import tpu as pltpu
from jax.experimental.pallas import tpu_sc as plsc

EMBED_DIM = 64
NUM_ROWS = 16384
NUM_COLS = 200

NC = 2
NS = 16
NW = NC * NS
RPW = NUM_ROWS // NW

NR = 4
NGROUPS = RPW // NR
SPLITS = ((0, 128), (128, 72))


@functools.partial(
    pl.kernel,
    mesh=plsc.VectorSubcoreMesh(core_axis_name="c", subcore_axis_name="s"),
    out_type=jax.ShapeDtypeStruct((NUM_ROWS, NUM_COLS, EMBED_DIM),
                                  jnp.float32),
    scratch_types=[
        pltpu.VMEM((NR, NUM_COLS), jnp.int32),
        pltpu.VMEM((NR, NUM_COLS), jnp.int32),
        pltpu.VMEM((NR, NUM_COLS, EMBED_DIM), jnp.float32),
        pltpu.VMEM((NR, NUM_COLS, EMBED_DIM), jnp.float32),
        pltpu.SemaphoreType.DMA,
        pltpu.SemaphoreType.DMA,
        pltpu.SemaphoreType.DMA,
        pltpu.SemaphoreType.DMA,
        pltpu.SemaphoreType.DMA,
        pltpu.SemaphoreType.DMA,
    ],
    compiler_params=pltpu.CompilerParams(use_tc_tiling_on_sc=False),
)
def _sc_gather(data_hbm, table_hbm, out_hbm, idx0, idx1, rows0, rows1,
               isem0, isem1, gsem0, gsem1, ssem0, ssem1):
    wid = lax.axis_index("s") * NC + lax.axis_index("c")
    base = wid * RPW

    idx_b = (idx0, idx1)
    rows_b = (rows0, rows1)
    isem_b = (isem0, isem1)
    gsem_b = (gsem0, gsem1)
    ssem_b = (ssem0, ssem1)

    def idx_slice(g):
        return data_hbm.at[pl.ds(base + g * NR, NR)]

    def out_slice(g):
        return out_hbm.at[pl.ds(base + g * NR, NR)]

    def fire_gathers(b):
        return [
            pltpu.async_copy(
                table_hbm.at[idx_b[b].at[r, pl.ds(off, ln)]],
                rows_b[b].at[r, pl.ds(off, ln)],
                gsem_b[b],
            )
            for r in range(NR)
            for off, ln in SPLITS
        ]

    def wait_gathers(b):
        for r in range(NR):
            for off, ln in SPLITS:
                pltpu.make_async_copy(
                    table_hbm.at[idx_b[b].at[r, pl.ds(off, ln)]],
                    rows_b[b].at[r, pl.ds(off, ln)],
                    gsem_b[b],
                ).wait()

    pltpu.async_copy(idx_slice(0), idx0, isem0)

    def pair(gp, carry):
        for b in range(2):
            g = gp * 2 + b
            o = 1 - b
            @pl.when(g >= 2)
            def _():
                pltpu.make_async_copy(rows_b[b], out_slice(g - 2),
                                      ssem_b[b]).wait()
            pltpu.make_async_copy(idx_slice(g), idx_b[b], isem_b[b]).wait()
            fire_gathers(b)
            @pl.when(g >= 1)
            def _():
                wait_gathers(o)
                pltpu.async_copy(rows_b[o], out_slice(g - 1), ssem_b[o])
            @pl.when(g + 1 < NGROUPS)
            def _():
                pltpu.async_copy(idx_slice(g + 1), idx_b[o], isem_b[o])
        return carry

    lax.fori_loop(0, NGROUPS // 2, pair, 0)

    wait_gathers(1)
    pltpu.async_copy(rows1, out_slice(NGROUPS - 1), ssem1)
    pltpu.make_async_copy(rows0, out_slice(NGROUPS - 2), ssem0).wait()
    pltpu.make_async_copy(rows1, out_slice(NGROUPS - 1), ssem1).wait()


def kernel(data, embedding):
    return _sc_gather(data.astype(jnp.int32), embedding)

# --- scband reference (transcript-rebuilt; emitter-appended) ---
"""Pipeline reference for scband-atom-embedding-65816078844124 (READ-ONLY COPY).

The authoritative reference and input builder live on the scoring server;
editing this copy changes nothing except your own understanding.
"""

import jax, jax.numpy as jnp
import numpy as np

NUM_ATOMS = 1000000
EMBED_DIM = 64

def setup_inputs(seed: int = 0) -> dict:
    key = jax.random.key(seed)
    k1, k2 = jax.random.split(key)
    data = jax.random.randint(k1, (16384, 200), 0, NUM_ATOMS, dtype=jnp.int64 if jax.config.jax_enable_x64 else jnp.int32)
    embedding = jax.random.normal(k2, (NUM_ATOMS, EMBED_DIM), dtype=jnp.float32)
    return {"data": data, "embedding": embedding}

def reference(data, embedding):
    # separate_entity_embedding=False -> x = data.x (the index tensor itself)
    return jnp.take(embedding, data, axis=0)

if __name__ == "__main__":
    import jax
    _d = setup_inputs()
    print(jax.jit(kernel)(*tuple(_d.values())))

</pallas_src>

<mosaic_0001>
#map = affine_map<(d0, d1) -> (0, 0)>
#map1 = affine_map<(d0, d1) -> (0, 0, 0)>
module attributes {stable_mosaic.version = 14 : i64} {
  func.func @_sc_gather(%arg0: i32, %arg1: i32, %arg2: memref<16384x200xi32, #tpu.memory_space<hbm>>, %arg3: memref<1000000x64xf32, #tpu.memory_space<hbm>>, %arg4: memref<16384x200x64xf32, #tpu.memory_space<hbm>>, %arg5: memref<4x200xi32, #tpu.memory_space<vmem>>, %arg6: memref<4x200xi32, #tpu.memory_space<vmem>>, %arg7: memref<4x200x64xf32, #tpu.memory_space<vmem>>, %arg8: memref<4x200x64xf32, #tpu.memory_space<vmem>>, %arg9: memref<!tpu.dma_semaphore, #tpu.memory_space<semaphore_mem>>, %arg10: memref<!tpu.dma_semaphore, #tpu.memory_space<semaphore_mem>>, %arg11: memref<!tpu.dma_semaphore, #tpu.memory_space<semaphore_mem>>, %arg12: memref<!tpu.dma_semaphore, #tpu.memory_space<semaphore_mem>>, %arg13: memref<!tpu.dma_semaphore, #tpu.memory_space<semaphore_mem>>, %arg14: memref<!tpu.dma_semaphore, #tpu.memory_space<semaphore_mem>>) attributes {dimension_semantics = [#tpu.dimension_semantics<core_parallel>, #tpu.dimension_semantics<subcore_parallel>], iteration_bounds = array<i64: 2, 16>, scalar_prefetch = 0 : i64, scratch_operands = 10 : i64, tpu.core_type = #tpu.core_type<sc_vector_subcore>, window_params = [{transform_indices = #map}, {transform_indices = #map}, {transform_indices = #map1}]} {
    %mul3A = arith.constant 2 : i32
    %mul3A_0 = arith.muli %arg1, %mul3A : i32
    %add3A = arith.addi %mul3A_0, %arg0 : i32
    %mul3A_1 = arith.constant 512 : i32
    %mul3A_2 = arith.muli %add3A, %mul3A_1 : i32
    %add3A_3 = arith.constant 0 : i32
    %add3A_4 = arith.addi %mul3A_2, %add3A_3 : i32
    %dma_start3A = arith.constant 0 : i32
    %dma_start3A_5 = tpu.memref_slice %arg2[%add3A_4, %dma_start3A] : memref<16384x200xi32, #tpu.memory_space<hbm>> -> memref<4x200xi32, #tpu.memory_space<hbm>>
    %dma_start3A_6 = arith.constant 0 : i32
    %dma_start3A_7 = tpu.memref_slice %arg2[%add3A_4, %dma_start3A_6] : memref<16384x200xi32, #tpu.memory_space<hbm>> -> memref<4x200xi32, #tpu.memory_space<hbm>>
    tpu.enqueue_dma source(%dma_start3A_7 : memref<4x200xi32, #tpu.memory_space<hbm>>) target(%arg5 : memref<4x200xi32, #tpu.memory_space<vmem>>) target_semaphore(%arg9 : memref<!tpu.dma_semaphore, #tpu.memory_space<semaphore_mem>>)
    %scan3A = arith.constant 0 : i32
    %scan3A_8 = arith.constant 0 : i32
    %scan3A_9 = arith.constant 64 : i32
    %scan3A_10 = arith.addi %scan3A_8, %scan3A_9 : i32
    %scan3A_11 = arith.constant 1 : i32
    scf.for %scan3A_132 = %scan3A_8 to %scan3A_10 step %scan3A_11  : i32 {
      %mul3A_133 = arith.constant 2 : i32
      %mul3A_134 = arith.muli %scan3A_132, %mul3A_133 : i32
      %add3A_135 = arith.constant 0 : i32
      %add3A_136 = arith.addi %mul3A_134, %add3A_135 : i32
      %ge3A = arith.constant 2 : i32
      %ge3A_137 = arith.cmpi sge, %add3A_136, %ge3A : i32
      %convert_element_type3A = arith.extui %ge3A_137 : i1 to i32
      %cond3A = arith.constant 0 : i32
      %cond3A_138 = arith.cmpi ne, %convert_element_type3A, %cond3A : i32
      scf.if %cond3A_138 {
        %sub3A = arith.constant 2 : i32
        %sub3A_377 = arith.subi %add3A_136, %sub3A : i32
        %mul3A_378 = arith.constant 4 : i32
        %mul3A_379 = arith.muli %sub3A_377, %mul3A_378 : i32
        %add3A_380 = arith.addi %mul3A_2, %mul3A_379 : i32
        %dma_wait3A_381 = arith.constant 0 : i32
        %dma_wait3A_382 = arith.constant 0 : i32
        %dma_wait3A_383 = tpu.memref_slice %arg4[%add3A_380, %dma_wait3A_381, %dma_wait3A_382] : memref<16384x200x64xf32, #tpu.memory_space<hbm>> -> memref<4x200x64xf32, #tpu.memory_space<hbm>>
        %dma_wait3A_384 = arith.constant 0 : i32
        %dma_wait3A_385 = arith.constant 0 : i32
        %dma_wait3A_386 = tpu.memref_slice %arg4[%add3A_380, %dma_wait3A_384, %dma_wait3A_385] : memref<16384x200x64xf32, #tpu.memory_space<hbm>> -> memref<4x200x64xf32, #tpu.memory_space<hbm>>
        tpu.wait_dma2 semaphore(%arg13 : memref<!tpu.dma_semaphore, #tpu.memory_space<semaphore_mem>>) src(%arg7 : memref<4x200x64xf32, #tpu.memory_space<vmem>>) dst(%dma_wait3A_386 : memref<4x200x64xf32, #tpu.memory_space<hbm>>)
      } else {
      }
      %mul3A_139 = arith.constant 4 : i32
      %mul3A_140 = arith.muli %add3A_136, %mul3A_139 : i32
      %add3A_141 = arith.addi %mul3A_2, %mul3A_140 : i32
      %dma_wait3A_142 = arith.constant 0 : i32
      %dma_wait3A_143 = tpu.memref_slice %arg2[%add3A_141, %dma_wait3A_142] : memref<16384x200xi32, #tpu.memory_space<hbm>> -> memref<4x200xi32, #tpu.memory_space<hbm>>
      %dma_wait3A_144 = arith.constant 0 : i32
      %dma_wait3A_145 = tpu.memref_slice %arg2[%add3A_141, %dma_wait3A_144] : memref<16384x200xi32, #tpu.memory_space<hbm>> -> memref<4x200xi32, #tpu.memory_space<hbm>>
      tpu.wait_dma2 semaphore(%arg9 : memref<!tpu.dma_semaphore, #tpu.memory_space<semaphore_mem>>) src(%dma_wait3A_145 : memref<4x200xi32, #tpu.memory_space<hbm>>) dst(%arg5 : memref<4x200xi32, #tpu.memory_space<vmem>>)
      %dma_start3A_146 = arith.constant 0 : i32
      %dma_start3A_147 = arith.constant 0 : i32
      %dma_start3A_148 = arith.constant 0 : i32
      %dma_start3A_149 = arith.constant 0 : i32
      %dma_start3A_150 = tpu.memref_slice %arg7[%dma_start3A_147, %dma_start3A_148, %dma_start3A_149] : memref<4x200x64xf32, #tpu.memory_space<vmem>> -> memref<1x128x64xf32, #tpu.memory_space<vmem>>
      %dma_start3A_151 = tpu.memref_squeeze %dma_start3A_150 : memref<1x128x64xf32, #tpu.memory_space<vmem>> -> memref<128x64xf32, #tpu.memory_space<vmem>>
      %dma_start3A_152 = arith.constant 0 : i32
      %dma_start3A_153 = tpu.memref_slice %arg5[%dma_start3A_146, %dma_start3A_152] : memref<4x200xi32, #tpu.memory_space<vmem>> -> memref<1x128xi32, #tpu.memory_space<vmem>>
      %dma_start3A_154 = tpu.memref_squeeze %dma_start3A_153 : memref<1x128xi32, #tpu.memory_space<vmem>> -> memref<128xi32, #tpu.memory_space<vmem>>
      %dma_start3A_155 = arith.constant 0 : i32
      %dma_start3A_156 = arith.constant 0 : i32
      %dma_start3A_157 = tpu.memref_slice %arg3[%dma_start3A_155, %dma_start3A_156] : memref<1000000x64xf32, #tpu.memory_space<hbm>> -> memref<1000000x64xf32, #tpu.memory_space<hbm>>
      tpu.enqueue_indirect_dma source(%dma_start3A_157 : memref<1000000x64xf32, #tpu.memory_space<hbm>>) target(%dma_start3A_151 : memref<128x64xf32, #tpu.memory_space<vmem>>) offsets(%dma_start3A_154 : memref<128xi32, #tpu.memory_space<vmem>>) semaphore(%arg11 : memref<!tpu.dma_semaphore, #tpu.memory_space<semaphore_mem>>)
      %dma_start3A_158 = arith.constant 0 : i32
      %dma_start3A_159 = arith.constant 0 : i32
      %dma_start3A_160 = arith.constant 128 : i32
      %dma_start3A_161 = arith.constant 0 : i32
      %dma_start3A_162 = tpu.memref_slice %arg7[%dma_start3A_159, %dma_start3A_160, %dma_start3A_161] : memref<4x200x64xf32, #tpu.memory_space<vmem>> -> memref<1x72x64xf32, #tpu.memory_space<vmem>>
      %dma_start3A_163 = tpu.memref_squeeze %dma_start3A_162 : memref<1x72x64xf32, #tpu.memory_space<vmem>> -> memref<72x64xf32, #tpu.memory_space<vmem>>
      %dma_start3A_164 = arith.constant 128 : i32
      %dma_start3A_165 = tpu.memref_slice %arg5[%dma_start3A_158, %dma_start3A_164] : memref<4x200xi32, #tpu.memory_space<vmem>> -> memref<1x72xi32, #tpu.memory_space<vmem>>
      %dma_start3A_166 = tpu.memref_squeeze %dma_start3A_165 : memref<1x72xi32, #tpu.memory_space<vmem>> -> memref<72xi32, #tpu.memory_space<vmem>>
      %dma_start3A_167 = arith.constant 0 : i32
      %dma_start3A_168 = arith.constant 0 : i32
      %dma_start3A_169 = tpu.memref_slice %arg3[%dma_start3A_167, %dma_start3A_168] : memref<1000000x64xf32, #tpu.memory_space<hbm>> -> memref<1000000x64xf32, #tpu.memory_space<hbm>>
      tpu.enqueue_indirect_dma source(%dma_start3A_169 : memref<1000000x64xf32, #tpu.memory_space<hbm>>) target(%dma_start3A_163 : memref<72x64xf32, #tpu.memory_space<vmem>>) offsets(%dma_start3A_166 : memref<72xi32, #tpu.memory_space<vmem>>) semaphore(%arg11 : memref<!tpu.dma_semaphore, #tpu.memory_space<semaphore_mem>>)
      %dma_start3A_170 = arith.constant 1 : i32
      %dma_start3A_171 = arith.constant 1 : i32
      %dma_start3A_172 = arith.constant 0 : i32
      %dma_start3A_173 = arith.constant 0 : i32
      %dma_start3A_174 = tpu.memref_slice %arg7[%dma_start3A_171, %dma_start3A_172, %dma_start3A_173] : memref<4x200x64xf32, #tpu.memory_space<vmem>> -> memref<1x128x64xf32, #tpu.memory_space<vmem>>
      %dma_start3A_175 = tpu.memref_squeeze %dma_start3A_174 : memref<1x128x64xf32, #tpu.memory_space<vmem>> -> memref<128x64xf32, #tpu.memory_space<vmem>>
      %dma_start3A_176 = arith.constant 0 : i32
      %dma_start3A_177 = tpu.memref_slice %arg5[%dma_start3A_170, %dma_start3A_176] : memref<4x200xi32, #tpu.memory_space<vmem>> -> memref<1x128xi32, #tpu.memory_space<vmem>>
      %dma_start3A_178 = tpu.memref_squeeze %dma_start3A_177 : memref<1x128xi32, #tpu.memory_space<vmem>> -> memref<128xi32, #tpu.memory_space<vmem>>
      %dma_start3A_179 = arith.constant 0 : i32
      %dma_start3A_180 = arith.constant 0 : i32
      %dma_start3A_181 = tpu.memref_slice %arg3[%dma_start3A_179, %dma_start3A_180] : memref<1000000x64xf32, #tpu.memory_space<hbm>> -> memref<1000000x64xf32, #tpu.memory_space<hbm>>
      tpu.enqueue_indirect_dma source(%dma_start3A_181 : memref<1000000x64xf32, #tpu.memory_space<hbm>>) target(%dma_start3A_175 : memref<128x64xf32, #tpu.memory_space<vmem>>) offsets(%dma_start3A_178 : memref<128xi32, #tpu.memory_space<vmem>>) semaphore(%arg11 : memref<!tpu.dma_semaphore, #tpu.memory_space<semaphore_mem>>)
      %dma_start3A_182 = arith.constant 1 : i32
      %dma_start3A_183 = arith.constant 1 : i32
      %dma_start3A_184 = arith.constant 128 : i32
      %dma_start3A_185 = arith.constant 0 : i32
      %dma_start3A_186 = tpu.memref_slice %arg7[%dma_start3A_183, %dma_start3A_184, %dma_start3A_185] : memref<4x200x64xf32, #tpu.memory_space<vmem>> -> memref<1x72x64xf32, #tpu.memory_space<vmem>>
      %dma_start3A_187 = tpu.memref_squeeze %dma_start3A_186 : memref<1x72x64xf32, #tpu.memory_space<vmem>> -> memref<72x64xf32, #tpu.memory_space<vmem>>
      %dma_start3A_188 = arith.constant 128 : i32
      %dma_start3A_189 = tpu.memref_slice %arg5[%dma_start3A_182, %dma_start3A_188] : memref<4x200xi32, #tpu.memory_space<vmem>> -> memref<1x72xi32, #tpu.memory_space<vmem>>
      %dma_start3A_190 = tpu.memref_squeeze %dma_start3A_189 : memref<1x72xi32, #tpu.memory_space<vmem>> -> memref<72xi32, #tpu.memory_space<vmem>>
      %dma_start3A_191 = arith.constant 0 : i32
      %dma_start3A_192 = arith.constant 0 : i32
      %dma_start3A_193 = tpu.memref_slice %arg3[%dma_start3A_191, %dma_start3A_192] : memref<1000000x64xf32, #tpu.memory_space<hbm>> -> memref<1000000x64xf32, #tpu.memory_space<hbm>>
      tpu.enqueue_indirect_dma source(%dma_start3A_193 : memref<1000000x64xf32, #tpu.memory_space<hbm>>) target(%dma_start3A_187 : memref<72x64xf32, #tpu.memory_space<vmem>>) offsets(%dma_start3A_190 : memref<72xi32, #tpu.memory_space<vmem>>) semaphore(%arg11 : memref<!tpu.dma_semaphore, #tpu.memory_space<semaphore_mem>>)
      %dma_start3A_194 = arith.constant 2 : i32
      %dma_start3A_195 = arith.constant 2 : i32
      %dma_start3A_196 = arith.constant 0 : i32
      %dma_start3A_197 = arith.constant 0 : i32
      %dma_start3A_198 = tpu.memref_slice %arg7[%dma_start3A_195, %dma_start3A_196, %dma_start3A_197] : memref<4x200x64xf32, #tpu.memory_space<vmem>> -> memref<1x128x64xf32, #tpu.memory_space<vmem>>
      %dma_start3A_199 = tpu.memref_squeeze %dma_start3A_198 : memref<1x128x64xf32, #tpu.memory_space<vmem>> -> memref<128x64xf32, #tpu.memory_space<vmem>>
      %dma_start3A_200 = arith.constant 0 : i32
      %dma_start3A_201 = tpu.memref_slice %arg5[%dma_start3A_194, %dma_start3A_200] : memref<4x200xi32, #tpu.memory_space<vmem>> -> memref<1x128xi32, #tpu.memory_space<vmem>>
      %dma_start3A_202 = tpu.memref_squeeze %dma_start3A_201 : memref<1x128xi32, #tpu.memory_space<vmem>> -> memref<128xi32, #tpu.memory_space<vmem>>
      %dma_start3A_203 = arith.constant 0 : i32
      %dma_start3A_204 = arith.constant 0 : i32
      %dma_start3A_205 = tpu.memref_slice %arg3[%dma_start3A_203, %dma_start3A_204] : memref<1000000x64xf32, #tpu.memory_space<hbm>> -> memref<1000000x64xf32, #tpu.memory_space<hbm>>
      tpu.enqueue_indirect_dma source(%dma_start3A_205 : memref<1000000x64xf32, #tpu.memory_space<hbm>>) target(%dma_start3A_199 : memref<128x64xf32, #tpu.memory_space<vmem>>) offsets(%dma_start3A_202 : memref<128xi32, #tpu.memory_space<vmem>>) semaphore(%arg11 : memref<!tpu.dma_semaphore, #tpu.memory_space<semaphore_mem>>)
      %dma_start3A_206 = arith.constant 2 : i32
      %dma_start3A_207 = arith.constant 2 : i32
      %dma_start3A_208 = arith.constant 128 : i32
      %dma_start3A_209 = arith.constant 0 : i32
      %dma_start3A_210 = tpu.memref_slice %arg7[%dma_start3A_207, %dma_start3A_208, %dma_start3A_209] : memref<4x200x64xf32, #tpu.memory_space<vmem>> -> memref<1x72x64xf32, #tpu.memory_space<vmem>>
      %dma_start3A_211 = tpu.memref_squeeze %dma_start3A_210 : memref<1x72x64xf32, #tpu.memory_space<vmem>> -> memref<72x64xf32, #tpu.memory_space<vmem>>
      %dma_start3A_212 = arith.constant 128 : i32
      %dma_start3A_213 = tpu.memref_slice %arg5[%dma_start3A_206, %dma_start3A_212] : memref<4x200xi32, #tpu.memory_space<vmem>> -> memref<1x72xi32, #tpu.memory_space<vmem>>
      %dma_start3A_214 = tpu.memref_squeeze %dma_start3A_213 : memref<1x72xi32, #tpu.memory_space<vmem>> -> memref<72xi32, #tpu.memory_space<vmem>>
      %dma_start3A_215 = arith.constant 0 : i32
      %dma_start3A_216 = arith.constant 0 : i32
      %dma_start3A_217 = tpu.memref_slice %arg3[%dma_start3A_215, %dma_start3A_216] : memref<1000000x64xf32, #tpu.memory_space<hbm>> -> memref<1000000x64xf32, #tpu.memory_space<hbm>>
      tpu.enqueue_indirect_dma source(%dma_start3A_217 : memref<1000000x64xf32, #tpu.memory_space<hbm>>) target(%dma_start3A_211 : memref<72x64xf32, #tpu.memory_space<vmem>>) offsets(%dma_start3A_214 : memref<72xi32, #tpu.memory_space<vmem>>) semaphore(%arg11 : memref<!tpu.dma_semaphore, #tpu.memory_space<semaphore_mem>>)
      %dma_start3A_218 = arith.constant 3 : i32
      %dma_start3A_219 = arith.constant 3 : i32
      %dma_start3A_220 = arith.constant 0 : i32
      %dma_start3A_221 = arith.constant 0 : i32
      %dma_start3A_222 = tpu.memref_slice %arg7[%dma_start3A_219, %dma_start3A_220, %dma_start3A_221] : memref<4x200x64xf32, #tpu.memory_space<vmem>> -> memref<1x128x64xf32, #tpu.memory_space<vmem>>
      %dma_start3A_223 = tpu.memref_squeeze %dma_start3A_222 : memref<1x128x64xf32, #tpu.memory_space<vmem>> -> memref<128x64xf32, #tpu.memory_space<vmem>>
      %dma_start3A_224 = arith.constant 0 : i32
      %dma_start3A_225 = tpu.memref_slice %arg5[%dma_start3A_218, %dma_start3A_224] : memref<4x200xi32, #tpu.memory_space<vmem>> -> memref<1x128xi32, #tpu.memory_space<vmem>>
      %dma_start3A_226 = tpu.memref_squeeze %dma_start3A_225 : memref<1x128xi32, #tpu.memory_space<vmem>> -> memref<128xi32, #tpu.memory_space<vmem>>
      %dma_start3A_227 = arith.constant 0 : i32
      %dma_start3A_228 = arith.constant 0 : i32
      %dma_start3A_229 = tpu.memref_slice %arg3[%dma_start3A_227, %dma_start3A_228] : memref<1000000x64xf32, #tpu.memory_space<hbm>> -> memref<1000000x64xf32, #tpu.memory_space<hbm>>
      tpu.enqueue_indirect_dma source(%dma_start3A_229 : memref<1000000x64xf32, #tpu.memory_space<hbm>>) target(%dma_start3A_223 : memref<128x64xf32, #tpu.memory_space<vmem>>) offsets(%dma_start3A_226 : memref<128xi32, #tpu.memory_space<vmem>>) semaphore(%arg11 : memref<!tpu.dma_semaphore, #tpu.memory_space<semaphore_mem>>)
      %dma_start3A_230 = arith.constant 3 : i32
      %dma_start3A_231 = arith.constant 3 : i32
      %dma_start3A_232 = arith.constant 128 : i32
      %dma_start3A_233 = arith.constant 0 : i32
      %dma_start3A_234 = tpu.memref_slice %arg7[%dma_start3A_231, %dma_start3A_232, %dma_start3A_233] : memref<4x200x64xf32, #tpu.memory_space<vmem>> -> memref<1x72x64xf32, #tpu.memory_space<vmem>>
      %dma_start3A_235 = tpu.memref_squeeze %dma_start3A_234 : memref<1x72x64xf32, #tpu.memory_space<vmem>> -> memref<72x64xf32, #tpu.memory_space<vmem>>
      %dma_start3A_236 = arith.constant 128 : i32
      %dma_start3A_237 = tpu.memref_slice %arg5[%dma_start3A_230, %dma_start3A_236] : memref<4x200xi32, #tpu.memory_space<vmem>> -> memref<1x72xi32, #tpu.memory_space<vmem>>
      %dma_start3A_238 = tpu.memref_squeeze %dma_start3A_237 : memref<1x72xi32, #tpu.memory_space<vmem>> -> memref<72xi32, #tpu.memory_space<vmem>>
      %dma_start3A_239 = arith.constant 0 : i32
      %dma_start3A_240 = arith.constant 0 : i32
      %dma_start3A_241 = tpu.memref_slice %arg3[%dma_start3A_239, %dma_start3A_240] : memref<1000000x64xf32, #tpu.memory_space<hbm>> -> memref<1000000x64xf32, #tpu.memory_space<hbm>>
      tpu.enqueue_indirect_dma source(%dma_start3A_241 : memref<1000000x64xf32, #tpu.memory_space<hbm>>) target(%dma_start3A_235 : memref<72x64xf32, #tpu.memory_space<vmem>>) offsets(%dma_start3A_238 : memref<72xi32, #tpu.memory_space<vmem>>) semaphore(%arg11 : memref<!tpu.dma_semaphore, #tpu.memory_space<semaphore_mem>>)
      %ge3A_242 = arith.constant 1 : i32
      %ge3A_243 = arith.cmpi sge, %add3A_136, %ge3A_242 : i32
      %convert_element_type3A_244 = arith.extui %ge3A_243 : i1 to i32
      %cond3A_245 = arith.constant 0 : i32
      %cond3A_246 = arith.cmpi ne, %convert_element_type3A_244, %cond3A_245 : i32
      scf.if %cond3A_246 {
        %dma_wait3A_377 = arith.constant 0 : i32
        %dma_wait3A_378 = arith.constant 0 : i32
        %dma_wait3A_379 = arith.constant 0 : i32
        %dma_wait3A_380 = arith.constant 0 : i32
        %dma_wait3A_381 = tpu.memref_slice %arg8[%dma_wait3A_378, %dma_wait3A_379, %dma_wait3A_380] : memref<4x200x64xf32, #tpu.memory_space<vmem>> -> memref<1x128x64xf32, #tpu.memory_space<vmem>>
        %dma_wait3A_382 = tpu.memref_squeeze %dma_wait3A_381 : memref<1x128x64xf32, #tpu.memory_space<vmem>> -> memref<128x64xf32, #tpu.memory_space<vmem>>
        %dma_wait3A_383 = arith.constant 0 : i32
        %dma_wait3A_384 = tpu.memref_slice %arg6[%dma_wait3A_377, %dma_wait3A_383] : memref<4x200xi32, #tpu.memory_space<vmem>> -> memref<1x128xi32, #tpu.memory_space<vmem>>
        %dma_wait3A_385 = tpu.memref_squeeze %dma_wait3A_384 : memref<1x128xi32, #tpu.memory_space<vmem>> -> memref<128xi32, #tpu.memory_space<vmem>>
        %dma_wait3A_386 = arith.constant 0 : i32
        %dma_wait3A_387 = arith.constant 0 : i32
        %dma_wait3A_388 = tpu.memref_slice %arg3[%dma_wait3A_386, %dma_wait3A_387] : memref<1000000x64xf32, #tpu.memory_space<hbm>> -> memref<1000000x64xf32, #tpu.memory_space<hbm>>
        tpu.wait_indirect_dma semaphore(%arg12 : memref<!tpu.dma_semaphore, #tpu.memory_space<semaphore_mem>>) src(%dma_wait3A_388 : memref<1000000x64xf32, #tpu.memory_space<hbm>>) dst(%dma_wait3A_382 : memref<128x64xf32, #tpu.memory_space<vmem>>)
        %dma_wait3A_389 = arith.constant 0 : i32
        %dma_wait3A_390 = arith.constant 0 : i32
        %dma_wait3A_391 = arith.constant 128 : i32
        %dma_wait3A_392 = arith.constant 0 : i32
        %dma_wait3A_393 = tpu.memref_slice %arg8[%dma_wait3A_390, %dma_wait3A_391, %dma_wait3A_392] : memref<4x200x64xf32, #tpu.memory_space<vmem>> -> memref<1x72x64xf32, #tpu.memory_space<vmem>>
        %dma_wait3A_394 = tpu.memref_squeeze %dma_wait3A_393 : memref<1x72x64xf32, #tpu.memory_space<vmem>> -> memref<72x64xf32, #tpu.memory_space<vmem>>
        %dma_wait3A_395 = arith.constant 128 : i32
        %dma_wait3A_396 = tpu.memref_slice %arg6[%dma_wait3A_389, %dma_wait3A_395] : memref<4x200xi32, #tpu.memory_space<vmem>> -> memref<1x72xi32, #tpu.memory_space<vmem>>
        %dma_wait3A_397 = tpu.memref_squeeze %dma_wait3A_396 : memref<1x72xi32, #tpu.memory_space<vmem>> -> memref<72xi32, #tpu.memory_space<vmem>>
        %dma_wait3A_398 = arith.constant 0 : i32
        %dma_wait3A_399 = arith.constant 0 : i32
        %dma_wait3A_400 = tpu.memref_slice %arg3[%dma_wait3A_398, %dma_wait3A_399] : memref<1000000x64xf32, #tpu.memory_space<hbm>> -> memref<1000000x64xf32, #tpu.memory_space<hbm>>
        tpu.wait_indirect_dma semaphore(%arg12 : memref<!tpu.dma_semaphore, #tpu.memory_space<semaphore_mem>>) src(%dma_wait3A_400 : memref<1000000x64xf32, #tpu.memory_space<hbm>>) dst(%dma_wait3A_394 : memref<72x64xf32, #tpu.memory_space<vmem>>)
        %dma_wait3A_401 = arith.constant 1 : i32
        %dma_wait3A_402 = arith.constant 1 : i32
        %dma_wait3A_403 = arith.constant 0 : i32
        %dma_wait3A_404 = arith.constant 0 : i32
        %dma_wait3A_405 = tpu.memref_slice %arg8[%dma_wait3A_402, %dma_wait3A_403, %dma_wait3A_404] : memref<4x200x64xf32, #tpu.memory_space<vmem>> -> memref<1x128x64xf32, #tpu.memory_space<vmem>>
        %dma_wait3A_406 = tpu.memref_squeeze %dma_wait3A_405 : memref<1x128x64xf32, #tpu.memory_space<vmem>> -> memref<128x64xf32, #tpu.memory_space<vmem>>
        %dma_wait3A_407 = arith.constant 0 : i32
        %dma_wait3A_408 = tpu.memref_slice %arg6[%dma_wait3A_401, %dma_wait3A_407] : memref<4x200xi32, #tpu.memory_space<vmem>> -> memref<1x128xi32, #tpu.memory_space<vmem>>
        %dma_wait3A_409 = tpu.memref_squeeze %dma_wait3A_408 : memref<1x128xi32, #tpu.memory_space<vmem>> -> memref<128xi32, #tpu.memory_space<vmem>>
        %dma_wait3A_410 = arith.constant 0 : i32
        %dma_wait3A_411 = arith.constant 0 : i32
        %dma_wait3A_412 = tpu.memref_slice %arg3[%dma_wait3A_410, %dma_wait3A_411] : memref<1000000x64xf32, #tpu.memory_space<hbm>> -> memref<1000000x64xf32, #tpu.memory_space<hbm>>
        tpu.wait_indirect_dma semaphore(%arg12 : memref<!tpu.dma_semaphore, #tpu.memory_space<semaphore_mem>>) src(%dma_wait3A_412 : memref<1000000x64xf32, #tpu.memory_space<hbm>>) dst(%dma_wait3A_406 : memref<128x64xf32, #tpu.memory_space<vmem>>)
        %dma_wait3A_413 = arith.constant 1 : i32
        %dma_wait3A_414 = arith.constant 1 : i32
        %dma_wait3A_415 = arith.constant 128 : i32
        %dma_wait3A_416 = arith.constant 0 : i32
        %dma_wait3A_417 = tpu.memref_slice %arg8[%dma_wait3A_414, %dma_wait3A_415, %dma_wait3A_416] : memref<4x200x64xf32, #tpu.memory_space<vmem>> -> memref<1x72x64xf32, #tpu.memory_space<vmem>>
        %dma_wait3A_418 = tpu.memref_squeeze %dma_wait3A_417 : memref<1x72x64xf32, #tpu.memory_space<vmem>> -> memref<72x64xf32, #tpu.memory_space<vmem>>
        %dma_wait3A_419 = arith.constant 128 : i32
        %dma_wait3A_420 = tpu.memref_slice %arg6[%dma_wait3A_413, %dma_wait3A_419] : memref<4x200xi32, #tpu.memory_space<vmem>> -> memref<1x72xi32, #tpu.memory_space<vmem>>
        %dma_wait3A_421 = tpu.memref_squeeze %dma_wait3A_420 : memref<1x72xi32, #tpu.memory_space<vmem>> -> memref<72xi32, #tpu.memory_space<vmem>>
        %dma_wait3A_422 = arith.constant 0 : i32
        %dma_wait3A_423 = arith.constant 0 : i32
        %dma_wait3A_424 = tpu.memref_slice %arg3[%dma_wait3A_422, %dma_wait3A_423] : memref<1000000x64xf32, #tpu.memory_space<hbm>> -> memref<1000000x64xf32, #tpu.memory_space<hbm>>
        tpu.wait_indirect_dma semaphore(%arg12 : memref<!tpu.dma_semaphore, #tpu.memory_space<semaphore_mem>>) src(%dma_wait3A_424 : memref<1000000x64xf32, #tpu.memory_space<hbm>>) dst(%dma_wait3A_418 : memref<72x64xf32, #tpu.memory_space<vmem>>)
        %dma_wait3A_425 = arith.constant 2 : i32
        %dma_wait3A_426 = arith.constant 2 : i32
        %dma_wait3A_427 = arith.constant 0 : i32
        %dma_wait3A_428 = arith.constant 0 : i32
        %dma_wait3A_429 = tpu.memref_slice %arg8[%dma_wait3A_426, %dma_wait3A_427, %dma_wait3A_428] : memref<4x200x64xf32, #tpu.memory_space<vmem>> -> memref<1x128x64xf32, #tpu.memory_space<vmem>>
        %dma_wait3A_430 = tpu.memref_squeeze %dma_wait3A_429 : memref<1x128x64xf32, #tpu.memory_space<vmem>> -> memref<128x64xf32, #tpu.memory_space<vmem>>
        %dma_wait3A_431 = arith.constant 0 : i32
        %dma_wait3A_432 = tpu.memref_slice %arg6[%dma_wait3A_425, %dma_wait3A_431] : memref<4x200xi32, #tpu.memory_space<vmem>> -> memref<1x128xi32, #tpu.memory_space<vmem>>
        %dma_wait3A_433 = tpu.memref_squeeze %dma_wait3A_432 : memref<1x128xi32, #tpu.memory_space<vmem>> -> memref<128xi32, #tpu.memory_space<vmem>>
        %dma_wait3A_434 = arith.constant 0 : i32
        %dma_wait3A_435 = arith.constant 0 : i32
        %dma_wait3A_436 = tpu.memref_slice %arg3[%dma_wait3A_434, %dma_wait3A_435] : memref<1000000x64xf32, #tpu.memory_space<hbm>> -> memref<1000000x64xf32, #tpu.memory_space<hbm>>
        tpu.wait_indirect_dma semaphore(%arg12 : memref<!tpu.dma_semaphore, #tpu.memory_space<semaphore_mem>>) src(%dma_wait3A_436 : memref<1000000x64xf32, #tpu.memory_space<hbm>>) dst(%dma_wait3A_430 : memref<128x64xf32, #tpu.memory_space<vmem>>)
        %dma_wait3A_437 = arith.constant 2 : i32
        %dma_wait3A_438 = arith.constant 2 : i32
        %dma_wait3A_439 = arith.constant 128 : i32
        %dma_wait3A_440 = arith.constant 0 : i32
        %dma_wait3A_441 = tpu.memref_slice %arg8[%dma_wait3A_438, %dma_wait3A_439, %dma_wait3A_440] : memref<4x200x64xf32, #tpu.memory_space<vmem>> -> memref<1x72x64xf32, #tpu.memory_space<vmem>>
        %dma_wait3A_442 = tpu.memref_squeeze %dma_wait3A_441 : memref<1x72x64xf32, #tpu.memory_space<vmem>> -> memref<72x64xf32, #tpu.memory_space<vmem>>
        %dma_wait3A_443 = arith.constant 128 : i32
        %dma_wait3A_444 = tpu.memref_slice %arg6[%dma_wait3A_437, %dma_wait3A_443] : memref<4x200xi32, #tpu.memory_space<vmem>> -> memref<1x72xi32, #tpu.memory_space<vmem>>
        %dma_wait3A_445 = tpu.memref_squeeze %dma_wait3A_444 : memref<1x72xi32, #tpu.memory_space<vmem>> -> memref<72xi32, #tpu.memory_space<vmem>>
        %dma_wait3A_446 = arith.constant 0 : i32
        %dma_wait3A_447 = arith.constant 0 : i32
        %dma_wait3A_448 = tpu.memref_slice %arg3[%dma_wait3A_446, %dma_wait3A_447] : memref<1000000x64xf32, #tpu.memory_space<hbm>> -> memref<1000000x64xf32, #tpu.memory_space<hbm>>
        tpu.wait_indirect_dma semaphore(%arg12 : memref<!tpu.dma_semaphore, #tpu.memory_space<semaphore_mem>>) src(%dma_wait3A_448 : memref<1000000x64xf32, #tpu.memory_space<hbm>>) dst(%dma_wait3A_442 : memref<72x64xf32, #tpu.memory_space<vmem>>)
        %dma_wait3A_449 = arith.constant 3 : i32
        %dma_wait3A_450 = arith.constant 3 : i32
        %dma_wait3A_451 = arith.constant 0 : i32
        %dma_wait3A_452 = arith.constant 0 : i32
        %dma_wait3A_453 = tpu.memref_slice %arg8[%dma_wait3A_450, %dma_wait3A_451, %dma_wait3A_452] : memref<4x200x64xf32, #tpu.memory_space<vmem>> -> memref<1x128x64xf32, #tpu.memory_space<vmem>>
        %dma_wait3A_454 = tpu.memref_squeeze %dma_wait3A_453 : memref<1x128x64xf32, #tpu.memory_space<vmem>> -> memref<128x64xf32, #tpu.memory_space<vmem>>
        %dma_wait3A_455 = arith.constant 0 : i32
        %dma_wait3A_456 = tpu.memref_slice %arg6[%dma_wait3A_449, %dma_wait3A_455] : memref<4x200xi32, #tpu.memory_space<vmem>> -> memref<1x128xi32, #tpu.memory_space<vmem>>
        %dma_wait3A_457 = tpu.memref_squeeze %dma_wait3A_456 : memref<1x128xi32, #tpu.memory_space<vmem>> -> memref<128xi32, #tpu.memory_space<vmem>>
        %dma_wait3A_458 = arith.constant 0 : i32
        %dma_wait3A_459 = arith.constant 0 : i32
        %dma_wait3A_460 = tpu.memref_slice %arg3[%dma_wait3A_458, %dma_wait3A_459] : memref<1000000x64xf32, #tpu.memory_space<hbm>> -> memref<1000000x64xf32, #tpu.memory_space<hbm>>
        tpu.wait_indirect_dma semaphore(%arg12 : memref<!tpu.dma_semaphore, #tpu.memory_space<semaphore_mem>>) src(%dma_wait3A_460 : memref<1000000x64xf32, #tpu.memory_space<hbm>>) dst(%dma_wait3A_454 : memref<128x64xf32, #tpu.memory_space<vmem>>)
        %dma_wait3A_461 = arith.constant 3 : i32
        %dma_wait3A_462 = arith.constant 3 : i32
        %dma_wait3A_463 = arith.constant 128 : i32
        %dma_wait3A_464 = arith.constant 0 : i32
        %dma_wait3A_465 = tpu.memref_slice %arg8[%dma_wait3A_462, %dma_wait3A_463, %dma_wait3A_464] : memref<4x200x64xf32, #tpu.memory_space<vmem>> -> memref<1x72x64xf32, #tpu.memory_space<vmem>>
        %dma_wait3A_466 = tpu.memref_squeeze %dma_wait3A_465 : memref<1x72x64xf32, #tpu.memory_space<vmem>> -> memref<72x64xf32, #tpu.memory_space<vmem>>
        %dma_wait3A_467 = arith.constant 128 : i32
        %dma_wait3A_468 = tpu.memref_slice %arg6[%dma_wait3A_461, %dma_wait3A_467] : memref<4x200xi32, #tpu.memory_space<vmem>> -> memref<1x72xi32, #tpu.memory_space<vmem>>
        %dma_wait3A_469 = tpu.memref_squeeze %dma_wait3A_468 : memref<1x72xi32, #tpu.memory_space<vmem>> -> memref<72xi32, #tpu.memory_space<vmem>>
        %dma_wait3A_470 = arith.constant 0 : i32
        %dma_wait3A_471 = arith.constant 0 : i32
        %dma_wait3A_472 = tpu.memref_slice %arg3[%dma_wait3A_470, %dma_wait3A_471] : memref<1000000x64xf32, #tpu.memory_space<hbm>> -> memref<1000000x64xf32, #tpu.memory_space<hbm>>
        tpu.wait_indirect_dma semaphore(%arg12 : memref<!tpu.dma_semaphore, #tpu.memory_space<semaphore_mem>>) src(%dma_wait3A_472 : memref<1000000x64xf32, #tpu.memory_space<hbm>>) dst(%dma_wait3A_466 : memref<72x64xf32, #tpu.memory_space<vmem>>)
        %sub3A = arith.constant 1 : i32
        %sub3A_473 = arith.subi %add3A_136, %sub3A : i32
        %mul3A_474 = arith.constant 4 : i32
        %mul3A_475 = arith.muli %sub3A_473, %mul3A_474 : i32
        %add3A_476 = arith.addi %mul3A_2, %mul3A_475 : i32
        %dma_start3A_477 = arith.constant 0 : i32
        %dma_start3A_478 = arith.constant 0 : i32
        %dma_start3A_479 = tpu.memref_slice %arg4[%add3A_476, %dma_start3A_477, %dma_start3A_478] : memref<16384x200x64xf32, #tpu.memory_space<hbm>> -> memref<4x200x64xf32, #tpu.memory_space<hbm>>
        %dma_start3A_480 = arith.constant 0 : i32
        %dma_start3A_481 = arith.constant 0 : i32
        %dma_start3A_482 = tpu.memref_slice %arg4[%add3A_476, %dma_start3A_480, %dma_start3A_481] : memref<16384x200x64xf32, #tpu.memory_space<hbm>> -> memref<4x200x64xf32, #tpu.memory_space<hbm>>
        tpu.enqueue_dma source(%arg8 : memref<4x200x64xf32, #tpu.memory_space<vmem>>) target(%dma_start3A_482 : memref<4x200x64xf32, #tpu.memory_space<hbm>>) target_semaphore(%arg14 : memref<!tpu.dma_semaphore, #tpu.memory_space<semaphore_mem>>)
      } else {
      }
      %add3A_247 = arith.constant 1 : i32
      %add3A_248 = arith.addi %add3A_136, %add3A_247 : i32
      %lt3A = arith.constant 128 : i32
      %lt3A_249 = arith.cmpi slt, %add3A_248, %lt3A : i32
      %convert_element_type3A_250 = arith.extui %lt3A_249 : i1 to i32
      %cond3A_251 = arith.constant 0 : i32
      %cond3A_252 = arith.cmpi ne, %convert_element_type3A_250, %cond3A_251 : i32
      scf.if %cond3A_252 {
        %add3A_377 = arith.constant 1 : i32
        %add3A_378 = arith.addi %add3A_136, %add3A_377 : i32
        %mul3A_379 = arith.constant 4 : i32
        %mul3A_380 = arith.muli %add3A_378, %mul3A_379 : i32
        %add3A_381 = arith.addi %mul3A_2, %mul3A_380 : i32
        %dma_start3A_382 = arith.constant 0 : i32
        %dma_start3A_383 = tpu.memref_slice %arg2[%add3A_381, %dma_start3A_382] : memref<16384x200xi32, #tpu.memory_space<hbm>> -> memref<4x200xi32, #tpu.memory_space<hbm>>
        %dma_start3A_384 = arith.constant 0 : i32
        %dma_start3A_385 = tpu.memref_slice %arg2[%add3A_381, %dma_start3A_384] : memref<16384x200xi32, #tpu.memory_space<hbm>> -> memref<4x200xi32, #tpu.memory_space<hbm>>
        tpu.enqueue_dma source(%dma_start3A_385 : memref<4x200xi32, #tpu.memory_space<hbm>>) target(%arg6 : memref<4x200xi32, #tpu.memory_space<vmem>>) target_semaphore(%arg10 : memref<!tpu.dma_semaphore, #tpu.memory_space<semaphore_mem>>)
      } else {
      }
      %mul3A_253 = arith.constant 2 : i32
      %mul3A_254 = arith.muli %scan3A_132, %mul3A_253 : i32
      %add3A_255 = arith.constant 1 : i32
      %add3A_256 = arith.addi %mul3A_254, %add3A_255 : i32
      %ge3A_257 = arith.constant 2 : i32
      %ge3A_258 = arith.cmpi sge, %add3A_256, %ge3A_257 : i32
      %convert_element_type3A_259 = arith.extui %ge3A_258 : i1 to i32
      %cond3A_260 = arith.constant 0 : i32
      %cond3A_261 = arith.cmpi ne, %convert_element_type3A_259, %cond3A_260 : i32
      scf.if %cond3A_261 {
        %sub3A = arith.constant 2 : i32
        %sub3A_377 = arith.subi %add3A_256, %sub3A : i32
        %mul3A_378 = arith.constant 4 : i32
        %mul3A_379 = arith.muli %sub3A_377, %mul3A_378 : i32
        %add3A_380 = arith.addi %mul3A_2, %mul3A_379 : i32
        %dma_wait3A_381 = arith.constant 0 : i32
        %dma_wait3A_382 = arith.constant 0 : i32
        %dma_wait3A_383 = tpu.memref_slice %arg4[%add3A_380, %dma_wait3A_381, %dma_wait3A_382] : memref<16384x200x64xf32, #tpu.memory_space<hbm>> -> memref<4x200x64xf32, #tpu.memory_space<hbm>>
        %dma_wait3A_384 = arith.constant 0 : i32
        %dma_wait3A_385 = arith.constant 0 : i32
        %dma_wait3A_386 = tpu.memref_slice %arg4[%add3A_380, %dma_wait3A_384, %dma_wait3A_385] : memref<16384x200x64xf32, #tpu.memory_space<hbm>> -> memref<4x200x64xf32, #tpu.memory_space<hbm>>
        tpu.wait_dma2 semaphore(%arg14 : memref<!tpu.dma_semaphore, #tpu.memory_space<semaphore_mem>>) src(%arg8 : memref<4x200x64xf32, #tpu.memory_space<vmem>>) dst(%dma_wait3A_386 : memref<4x200x64xf32, #tpu.memory_space<hbm>>)
      } else {
      }
      %mul3A_262 = arith.constant 4 : i32
      %mul3A_263 = arith.muli %add3A_256, %mul3A_262 : i32
      %add3A_264 = arith.addi %mul3A_2, %mul3A_263 : i32
      %dma_wait3A_265 = arith.constant 0 : i32
      %dma_wait3A_266 = tpu.memref_slice %arg2[%add3A_264, %dma_wait3A_265] : memref<16384x200xi32, #tpu.memory_space<hbm>> -> memref<4x200xi32, #tpu.memory_space<hbm>>
      %dma_wait3A_267 = arith.constant 0 : i32
      %dma_wait3A_268 = tpu.memref_slice %arg2[%add3A_264, %dma_wait3A_267] : memref<16384x200xi32, #tpu.memory_space<hbm>> -> memref<4x200xi32, #tpu.memory_space<hbm>>
      tpu.wait_dma2 semaphore(%arg10 : memref<!tpu.dma_semaphore, #tpu.memory_space<semaphore_mem>>) src(%dma_wait3A_268 : memref<4x200xi32, #tpu.memory_space<hbm>>) dst(%arg6 : memref<4x200xi32, #tpu.memory_space<vmem>>)
      %dma_start3A_269 = arith.constant 0 : i32
      %dma_start3A_270 = arith.constant 0 : i32
      %dma_start3A_271 = arith.constant 0 : i32
      %dma_start3A_272 = arith.constant 0 : i32
      %dma_start3A_273 = tpu.memref_slice %arg8[%dma_start3A_270, %dma_start3A_271, %dma_start3A_272] : memref<4x200x64xf32, #tpu.memory_space<vmem>> -> memref<1x128x64xf32, #tpu.memory_space<vmem>>
      %dma_start3A_274 = tpu.memref_squeeze %dma_start3A_273 : memref<1x128x64xf32, #tpu.memory_space<vmem>> -> memref<128x64xf32, #tpu.memory_space<vmem>>
      %dma_start3A_275 = arith.constant 0 : i32
      %dma_start3A_276 = tpu.memref_slice %arg6[%dma_start3A_269, %dma_start3A_275] : memref<4x200xi32, #tpu.memory_space<vmem>> -> memref<1x128xi32, #tpu.memory_space<vmem>>
      %dma_start3A_277 = tpu.memref_squeeze %dma_start3A_276 : memref<1x128xi32, #tpu.memory_space<vmem>> -> memref<128xi32, #tpu.memory_space<vmem>>
      %dma_start3A_278 = arith.constant 0 : i32
      %dma_start3A_279 = arith.constant 0 : i32
      %dma_start3A_280 = tpu.memref_slice %arg3[%dma_start3A_278, %dma_start3A_279] : memref<1000000x64xf32, #tpu.memory_space<hbm>> -> memref<1000000x64xf32, #tpu.memory_space<hbm>>
      tpu.enqueue_indirect_dma source(%dma_start3A_280 : memref<1000000x64xf32, #tpu.memory_space<hbm>>) target(%dma_start3A_274 : memref<128x64xf32, #tpu.memory_space<vmem>>) offsets(%dma_start3A_277 : memref<128xi32, #tpu.memory_space<vmem>>) semaphore(%arg12 : memref<!tpu.dma_semaphore, #tpu.memory_space<semaphore_mem>>)
      %dma_start3A_281 = arith.constant 0 : i32
      %dma_start3A_282 = arith.constant 0 : i32
      %dma_start3A_283 = arith.constant 128 : i32
      %dma_start3A_284 = arith.constant 0 : i32
      %dma_start3A_285 = tpu.memref_slice %arg8[%dma_start3A_282, %dma_start3A_283, %dma_start3A_284] : memref<4x200x64xf32, #tpu.memory_space<vmem>> -> memref<1x72x64xf32, #tpu.memory_space<vmem>>
      %dma_start3A_286 = tpu.memref_squeeze %dma_start3A_285 : memref<1x72x64xf32, #tpu.memory_space<vmem>> -> memref<72x64xf32, #tpu.memory_space<vmem>>
      %dma_start3A_287 = arith.constant 128 : i32
      %dma_start3A_288 = tpu.memref_slice %arg6[%dma_start3A_281, %dma_start3A_287] : memref<4x200xi32, #tpu.memory_space<vmem>> -> memref<1x72xi32, #tpu.memory_space<vmem>>
      %dma_start3A_289 = tpu.memref_squeeze %dma_start3A_288 : memref<1x72xi32, #tpu.memory_space<vmem>> -> memref<72xi32, #tpu.memory_space<vmem>>
      %dma_start3A_290 = arith.constant 0 : i32
      %dma_start3A_291 = arith.constant 0 : i32
      %dma_start3A_292 = tpu.memref_slice %arg3[%dma_start3A_290, %dma_start3A_291] : memref<1000000x64xf32, #tpu.memory_space<hbm>> -> memref<1000000x64xf32, #tpu.memory_space<hbm>>
      tpu.enqueue_indirect_dma source(%dma_start3A_292 : memref<1000000x64xf32, #tpu.memory_space<hbm>>) target(%dma_start3A_286 : memref<72x64xf32, #tpu.memory_space<vmem>>) offsets(%dma_start3A_289 : memref<72xi32, #tpu.memory_space<vmem>>) semaphore(%arg12 : memref<!tpu.dma_semaphore, #tpu.memory_space<semaphore_mem>>)
      %dma_start3A_293 = arith.constant 1 : i32
      %dma_start3A_294 = arith.constant 1 : i32
      %dma_start3A_295 = arith.constant 0 : i32
      %dma_start3A_296 = arith.constant 0 : i32
      %dma_start3A_297 = tpu.memref_slice %arg8[%dma_start3A_294, %dma_start3A_295, %dma_start3A_296] : memref<4x200x64xf32, #tpu.memory_space<vmem>> -> memref<1x128x64xf32, #tpu.memory_space<vmem>>
      %dma_start3A_298 = tpu.memref_squeeze %dma_start3A_297 : memref<1x128x64xf32, #tpu.memory_space<vmem>> -> memref<128x64xf32, #tpu.memory_space<vmem>>
      %dma_start3A_299 = arith.constant 0 : i32
      %dma_start3A_300 = tpu.memref_slice %arg6[%dma_start3A_293, %dma_start3A_299] : memref<4x200xi32, #tpu.memory_space<vmem>> -> memref<1x128xi32, #tpu.memory_space<vmem>>
      %dma_start3A_301 = tpu.memref_squeeze %dma_start3A_300 : memref<1x128xi32, #tpu.memory_space<vmem>> -> memref<128xi32, #tpu.memory_space<vmem>>
      %dma_start3A_302 = arith.constant 0 : i32
      %dma_start3A_303 = arith.constant 0 : i32
      %dma_start3A_304 = tpu.memref_slice %arg3[%dma_start3A_302, %dma_start3A_303] : memref<1000000x64xf32, #tpu.memory_space<hbm>> -> memref<1000000x64xf32, #tpu.memory_space<hbm>>
      tpu.enqueue_indirect_dma source(%dma_start3A_304 : memref<1000000x64xf32, #tpu.memory_space<hbm>>) target(%dma_start3A_298 : memref<128x64xf32, #tpu.memory_space<vmem>>) offsets(%dma_start3A_301 : memref<128xi32, #tpu.memory_space<vmem>>) semaphore(%arg12 : memref<!tpu.dma_semaphore, #tpu.memory_space<semaphore_mem>>)
      %dma_start3A_305 = arith.constant 1 : i32
      %dma_start3A_306 = arith.constant 1 : i32
      %dma_start3A_307 = arith.constant 128 : i32
      %dma_start3A_308 = arith.constant 0 : i32
      %dma_start3A_309 = tpu.memref_slice %arg8[%dma_start3A_306, %dma_start3A_307, %dma_start3A_308] : memref<4x200x64xf32, #tpu.memory_space<vmem>> -> memref<1x72x64xf32, #tpu.memory_space<vmem>>
      %dma_start3A_310 = tpu.memref_squeeze %dma_start3A_309 : memref<1x72x64xf32, #tpu.memory_space<vmem>> -> memref<72x64xf32, #tpu.memory_space<vmem>>
      %dma_start3A_311 = arith.constant 128 : i32
      %dma_start3A_312 = tpu.memref_slice %arg6[%dma_start3A_305, %dma_start3A_311] : memref<4x200xi32, #tpu.memory_space<vmem>> -> memref<1x72xi32, #tpu.memory_space<vmem>>
      %dma_start3A_313 = tpu.memref_squeeze %dma_start3A_312 : memref<1x72xi32, #tpu.memory_space<vmem>> -> memref<72xi32, #tpu.memory_space<vmem>>
      %dma_start3A_314 = arith.constant 0 : i32
      %dma_start3A_315 = arith.constant 0 : i32
      %dma_start3A_316 = tpu.memref_slice %arg3[%dma_start3A_314, %dma_start3A_315] : memref<1000000x64xf32, #tpu.memory_space<hbm>> -> memref<1000000x64xf32, #tpu.memory_space<hbm>>
      tpu.enqueue_indirect_dma source(%dma_start3A_316 : memref<1000000x64xf32, #tpu.memory_space<hbm>>) target(%dma_start3A_310 : memref<72x64xf32, #tpu.memory_space<vmem>>) offsets(%dma_start3A_313 : memref<72xi32, #tpu.memory_space<vmem>>) semaphore(%arg12 : memref<!tpu.dma_semaphore, #tpu.memory_space<semaphore_mem>>)
      %dma_start3A_317 = arith.constant 2 : i32
      %dma_start3A_318 = arith.constant 2 : i32
      %dma_start3A_319 = arith.constant 0 : i32
      %dma_start3A_320 = arith.constant 0 : i32
      %dma_start3A_321 = tpu.memref_slice %arg8[%dma_start3A_318, %dma_start3A_319, %dma_start3A_320] : memref<4x200x64xf32, #tpu.memory_space<vmem>> -> memref<1x128x64xf32, #tpu.memory_space<vmem>>
      %dma_start3A_322 = tpu.memref_squeeze %dma_start3A_321 : memref<1x128x64xf32, #tpu.memory_space<vmem>> -> memref<128x64xf32, #tpu.memory_space<vmem>>
      %dma_start3A_323 = arith.constant 0 : i32
      %dma_start3A_324 = tpu.memref_slice %arg6[%dma_start3A_317, %dma_start3A_323] : memref<4x200xi32, #tpu.memory_space<vmem>> -> memref<1x128xi32, #tpu.memory_space<vmem>>
      %dma_start3A_325 = tpu.memref_squeeze %dma_start3A_324 : memref<1x128xi32, #tpu.memory_space<vmem>> -> memref<128xi32, #tpu.memory_space<vmem>>
      %dma_start3A_326 = arith.constant 0 : i32
      %dma_start3A_327 = arith.constant 0 : i32
      %dma_start3A_328 = tpu.memref_slice %arg3[%dma_start3A_326, %dma_start3A_327] : memref<1000000x64xf32, #tpu.memory_space<hbm>> -> memref<1000000x64xf32, #tpu.memory_space<hbm>>
      tpu.enqueue_indirect_dma source(%dma_start3A_328 : memref<1000000x64xf32, #tpu.memory_space<hbm>>) target(%dma_start3A_322 : memref<128x64xf32, #tpu.memory_space<vmem>>) offsets(%dma_start3A_325 : memref<128xi32, #tpu.memory_space<vmem>>) semaphore(%arg12 : memref<!tpu.dma_semaphore, #tpu.memory_space<semaphore_mem>>)
      %dma_start3A_329 = arith.constant 2 : i32
      %dma_start3A_330 = arith.constant 2 : i32
      %dma_start3A_331 = arith.constant 128 : i32
      %dma_start3A_332 = arith.constant 0 : i32
      %dma_start3A_333 = tpu.memref_slice %arg8[%dma_start3A_330, %dma_start3A_331, %dma_start3A_332] : memref<4x200x64xf32, #tpu.memory_space<vmem>> -> memref<1x72x64xf32, #tpu.memory_space<vmem>>
      %dma_start3A_334 = tpu.memref_squeeze %dma_start3A_333 : memref<1x72x64xf32, #tpu.memory_space<vmem>> -> memref<72x64xf32, #tpu.memory_space<vmem>>
      %dma_start3A_335 = arith.constant 128 : i32
      %dma_start3A_336 = tpu.memref_slice %arg6[%dma_start3A_329, %dma_start3A_335] : memref<4x200xi32, #tpu.memory_space<vmem>> -> memref<1x72xi32, #tpu.memory_space<vmem>>
      %dma_start3A_337 = tpu.memref_squeeze %dma_start3A_336 : memref<1x72xi32, #tpu.memory_space<vmem>> -> memref<72xi32, #tpu.memory_space<vmem>>
      %dma_start3A_338 = arith.constant 0 : i32
      %dma_start3A_339 = arith.constant 0 : i32
      %dma_start3A_340 = tpu.memref_slice %arg3[%dma_start3A_338, %dma_start3A_339] : memref<1000000x64xf32, #tpu.memory_space<hbm>> -> memref<1000000x64xf32, #tpu.memory_space<hbm>>
      tpu.enqueue_indirect_dma source(%dma_start3A_340 : memref<1000000x64xf32, #tpu.memory_space<hbm>>) target(%dma_start3A_334 : memref<72x64xf32, #tpu.memory_space<vmem>>) offsets(%dma_start3A_337 : memref<72xi32, #tpu.memory_space<vmem>>) semaphore(%arg12 : memref<!tpu.dma_semaphore, #tpu.memory_space<semaphore_mem>>)
      %dma_start3A_341 = arith.constant 3 : i32
      %dma_start3A_342 = arith.constant 3 : i32
      %dma_start3A_343 = arith.constant 0 : i32
      %dma_start3A_344 = arith.constant 0 : i32
      %dma_start3A_345 = tpu.memref_slice %arg8[%dma_start3A_342, %dma_start3A_343, %dma_start3A_344] : memref<4x200x64xf32, #tpu.memory_space<vmem>> -> memref<1x128x64xf32, #tpu.memory_space<vmem>>
      %dma_start3A_346 = tpu.memref_squeeze %dma_start3A_345 : memref<1x128x64xf32, #tpu.memory_space<vmem>> -> memref<128x64xf32, #tpu.memory_space<vmem>>
      %dma_start3A_347 = arith.constant 0 : i32
      %dma_start3A_348 = tpu.memref_slice %arg6[%dma_start3A_341, %dma_start3A_347] : memref<4x200xi32, #tpu.memory_space<vmem>> -> memref<1x128xi32, #tpu.memory_space<vmem>>
      %dma_start3A_349 = tpu.memref_squeeze %dma_start3A_348 : memref<1x128xi32, #tpu.memory_space<vmem>> -> memref<128xi32, #tpu.memory_space<vmem>>
      %dma_start3A_350 = arith.constant 0 : i32
      %dma_start3A_351 = arith.constant 0 : i32
      %dma_start3A_352 = tpu.memref_slice %arg3[%dma_start3A_350, %dma_start3A_351] : memref<1000000x64xf32, #tpu.memory_space<hbm>> -> memref<1000000x64xf32, #tpu.memory_space<hbm>>
      tpu.enqueue_indirect_dma source(%dma_start3A_352 : memref<1000000x64xf32, #tpu.memory_space<hbm>>) target(%dma_start3A_346 : memref<128x64xf32, #tpu.memory_space<vmem>>) offsets(%dma_start3A_349 : memref<128xi32, #tpu.memory_space<vmem>>) semaphore(%arg12 : memref<!tpu.dma_semaphore, #tpu.memory_space<semaphore_mem>>)
      %dma_start3A_353 = arith.constant 3 : i32
      %dma_start3A_354 = arith.constant 3 : i32
      %dma_start3A_355 = arith.constant 128 : i32
      %dma_start3A_356 = arith.constant 0 : i32
      %dma_start3A_357 = tpu.memref_slice %arg8[%dma_start3A_354, %dma_start3A_355, %dma_start3A_356] : memref<4x200x64xf32, #tpu.memory_space<vmem>> -> memref<1x72x64xf32, #tpu.memory_space<vmem>>
      %dma_start3A_358 = tpu.memref_squeeze %dma_start3A_357 : memref<1x72x64xf32, #tpu.memory_space<vmem>> -> memref<72x64xf32, #tpu.memory_space<vmem>>
      %dma_start3A_359 = arith.constant 128 : i32
      %dma_start3A_360 = tpu.memref_slice %arg6[%dma_start3A_353, %dma_start3A_359] : memref<4x200xi32, #tpu.memory_space<vmem>> -> memref<1x72xi32, #tpu.memory_space<vmem>>
      %dma_start3A_361 = tpu.memref_squeeze %dma_start3A_360 : memref<1x72xi32, #tpu.memory_space<vmem>> -> memref<72xi32, #tpu.memory_space<vmem>>
      %dma_start3A_362 = arith.constant 0 : i32
      %dma_start3A_363 = arith.constant 0 : i32
      %dma_start3A_364 = tpu.memref_slice %arg3[%dma_start3A_362, %dma_start3A_363] : memref<1000000x64xf32, #tpu.memory_space<hbm>> -> memref<1000000x64xf32, #tpu.memory_space<hbm>>
      tpu.enqueue_indirect_dma source(%dma_start3A_364 : memref<1000000x64xf32, #tpu.memory_space<hbm>>) target(%dma_start3A_358 : memref<72x64xf32, #tpu.memory_space<vmem>>) offsets(%dma_start3A_361 : memref<72xi32, #tpu.memory_space<vmem>>) semaphore(%arg12 : memref<!tpu.dma_semaphore, #tpu.memory_space<semaphore_mem>>)
      %ge3A_365 = arith.constant 1 : i32
      %ge3A_366 = arith.cmpi sge, %add3A_256, %ge3A_365 : i32
      %convert_element_type3A_367 = arith.extui %ge3A_366 : i1 to i32
      %cond3A_368 = arith.constant 0 : i32
      %cond3A_369 = arith.cmpi ne, %convert_element_type3A_367, %cond3A_368 : i32
      scf.if %cond3A_369 {
        %dma_wait3A_377 = arith.constant 0 : i32
        %dma_wait3A_378 = arith.constant 0 : i32
        %dma_wait3A_379 = arith.constant 0 : i32
        %dma_wait3A_380 = arith.constant 0 : i32
        %dma_wait3A_381 = tpu.memref_slice %arg7[%dma_wait3A_378, %dma_wait3A_379, %dma_wait3A_380] : memref<4x200x64xf32, #tpu.memory_space<vmem>> -> memref<1x128x64xf32, #tpu.memory_space<vmem>>
        %dma_wait3A_382 = tpu.memref_squeeze %dma_wait3A_381 : memref<1x128x64xf32, #tpu.memory_space<vmem>> -> memref<128x64xf32, #tpu.memory_space<vmem>>
        %dma_wait3A_383 = arith.constant 0 : i32
        %dma_wait3A_384 = tpu.memref_slice %arg5[%dma_wait3A_377, %dma_wait3A_383] : memref<4x200xi32, #tpu.memory_space<vmem>> -> memref<1x128xi32, #tpu.memory_space<vmem>>
        %dma_wait3A_385 = tpu.memref_squeeze %dma_wait3A_384 : memref<1x128xi32, #tpu.memory_space<vmem>> -> memref<128xi32, #tpu.memory_space<vmem>>
        %dma_wait3A_386 = arith.constant 0 : i32
        %dma_wait3A_387 = arith.constant 0 : i32
        %dma_wait3A_388 = tpu.memref_slice %arg3[%dma_wait3A_386, %dma_wait3A_387] : memref<1000000x64xf32, #tpu.memory_space<hbm>> -> memref<1000000x64xf32, #tpu.memory_space<hbm>>
        tpu.wait_indirect_dma semaphore(%arg11 : memref<!tpu.dma_semaphore, #tpu.memory_space<semaphore_mem>>) src(%dma_wait3A_388 : memref<1000000x64xf32, #tpu.memory_space<hbm>>) dst(%dma_wait3A_382 : memref<128x64xf32, #tpu.memory_space<vmem>>)
        %dma_wait3A_389 = arith.constant 0 : i32
        %dma_wait3A_390 = arith.constant 0 : i32
        %dma_wait3A_391 = arith.constant 128 : i32
        %dma_wait3A_392 = arith.constant 0 : i32
        %dma_wait3A_393 = tpu.memref_slice %arg7[%dma_wait3A_390, %dma_wait3A_391, %dma_wait3A_392] : memref<4x200x64xf32, #tpu.memory_space<vmem>> -> memref<1x72x64xf32, #tpu.memory_space<vmem>>
        %dma_wait3A_394 = tpu.memref_squeeze %dma_wait3A_393 : memref<1x72x64xf32, #tpu.memory_space<vmem>> -> memref<72x64xf32, #tpu.memory_space<vmem>>
        %dma_wait3A_395 = arith.constant 128 : i32
        %dma_wait3A_396 = tpu.memref_slice %arg5[%dma_wait3A_389, %dma_wait3A_395] : memref<4x200xi32, #tpu.memory_space<vmem>> -> memref<1x72xi32, #tpu.memory_space<vmem>>
        %dma_wait3A_397 = tpu.memref_squeeze %dma_wait3A_396 : memref<1x72xi32, #tpu.memory_space<vmem>> -> memref<72xi32, #tpu.memory_space<vmem>>
        %dma_wait3A_398 = arith.constant 0 : i32
        %dma_wait3A_399 = arith.constant 0 : i32
        %dma_wait3A_400 = tpu.memref_slice %arg3[%dma_wait3A_398, %dma_wait3A_399] : memref<1000000x64xf32, #tpu.memory_space<hbm>> -> memref<1000000x64xf32, #tpu.memory_space<hbm>>
        tpu.wait_indirect_dma semaphore(%arg11 : memref<!tpu.dma_semaphore, #tpu.memory_space<semaphore_mem>>) src(%dma_wait3A_400 : memref<1000000x64xf32, #tpu.memory_space<hbm>>) dst(%dma_wait3A_394 : memref<72x64xf32, #tpu.memory_space<vmem>>)
        %dma_wait3A_401 = arith.constant 1 : i32
        %dma_wait3A_402 = arith.constant 1 : i32
        %dma_wait3A_403 = arith.constant 0 : i32
        %dma_wait3A_404 = arith.constant 0 : i32
        %dma_wait3A_405 = tpu.memref_slice %arg7[%dma_wait3A_402, %dma_wait3A_403, %dma_wait3A_404] : memref<4x200x64xf32, #tpu.memory_space<vmem>> -> memref<1x128x64xf32, #tpu.memory_space<vmem>>
        %dma_wait3A_406 = tpu.memref_squeeze %dma_wait3A_405 : memref<1x128x64xf32, #tpu.memory_space<vmem>> -> memref<128x64xf32, #tpu.memory_space<vmem>>
        %dma_wait3A_407 = arith.constant 0 : i32
        %dma_wait3A_408 = tpu.memref_slice %arg5[%dma_wait3A_401, %dma_wait3A_407] : memref<4x200xi32, #tpu.memory_space<vmem>> -> memref<1x128xi32, #tpu.memory_space<vmem>>
        %dma_wait3A_409 = tpu.memref_squeeze %dma_wait3A_408 : memref<1x128xi32, #tpu.memory_space<vmem>> -> memref<128xi32, #tpu.memory_space<vmem>>
        %dma_wait3A_410 = arith.constant 0 : i32
        %dma_wait3A_411 = arith.constant 0 : i32
        %dma_wait3A_412 = tpu.memref_slice %arg3[%dma_wait3A_410, %dma_wait3A_411] : memref<1000000x64xf32, #tpu.memory_space<hbm>> -> memref<1000000x64xf32, #tpu.memory_space<hbm>>
        tpu.wait_indirect_dma semaphore(%arg11 : memref<!tpu.dma_semaphore, #tpu.memory_space<semaphore_mem>>) src(%dma_wait3A_412 : memref<1000000x64xf32, #tpu.memory_space<hbm>>) dst(%dma_wait3A_406 : memref<128x64xf32, #tpu.memory_space<vmem>>)
        %dma_wait3A_413 = arith.constant 1 : i32
        %dma_wait3A_414 = arith.constant 1 : i32
        %dma_wait3A_415 = arith.constant 128 : i32
        %dma_wait3A_416 = arith.constant 0 : i32
        %dma_wait3A_417 = tpu.memref_slice %arg7[%dma_wait3A_414, %dma_wait3A_415, %dma_wait3A_416] : memref<4x200x64xf32, #tpu.memory_space<vmem>> -> memref<1x72x64xf32, #tpu.memory_space<vmem>>
        %dma_wait3A_418 = tpu.memref_squeeze %dma_wait3A_417 : memref<1x72x64xf32, #tpu.memory_space<vmem>> -> memref<72x64xf32, #tpu.memory_space<vmem>>
        %dma_wait3A_419 = arith.constant 128 : i32
        %dma_wait3A_420 = tpu.memref_slice %arg5[%dma_wait3A_413, %dma_wait3A_419] : memref<4x200xi32, #tpu.memory_space<vmem>> -> memref<1x72xi32, #tpu.memory_space<vmem>>
        %dma_wait3A_421 = tpu.memref_squeeze %dma_wait3A_420 : memref<1x72xi32, #tpu.memory_space<vmem>> -> memref<72xi32, #tpu.memory_space<vmem>>
        %dma_wait3A_422 = arith.constant 0 : i32
        %dma_wait3A_423 = arith.constant 0 : i32
        %dma_wait3A_424 = tpu.memref_slice %arg3[%dma_wait3A_422, %dma_wait3A_423] : memref<1000000x64xf32, #tpu.memory_space<hbm>> -> memref<1000000x64xf32, #tpu.memory_space<hbm>>
        tpu.wait_indirect_dma semaphore(%arg11 : memref<!tpu.dma_semaphore, #tpu.memory_space<semaphore_mem>>) src(%dma_wait3A_424 : memref<1000000x64xf32, #tpu.memory_space<hbm>>) dst(%dma_wait3A_418 : memref<72x64xf32, #tpu.memory_space<vmem>>)
        %dma_wait3A_425 = arith.constant 2 : i32
        %dma_wait3A_426 = arith.constant 2 : i32
        %dma_wait3A_427 = arith.constant 0 : i32
        %dma_wait3A_428 = arith.constant 0 : i32
        %dma_wait3A_429 = tpu.memref_slice %arg7[%dma_wait3A_426, %dma_wait3A_427, %dma_wait3A_428] : memref<4x200x64xf32, #tpu.memory_space<vmem>> -> memref<1x128x64xf32, #tpu.memory_space<vmem>>
        %dma_wait3A_430 = tpu.memref_squeeze %dma_wait3A_429 : memref<1x128x64xf32, #tpu.memory_space<vmem>> -> memref<128x64xf32, #tpu.memory_space<vmem>>
        %dma_wait3A_431 = arith.constant 0 : i32
        %dma_wait3A_432 = tpu.memref_slice %arg5[%dma_wait3A_425, %dma_wait3A_431] : memref<4x200xi32, #tpu.memory_space<vmem>> -> memref<1x128xi32, #tpu.memory_space<vmem>>
        %dma_wait3A_433 = tpu.memref_squeeze %dma_wait3A_432 : memref<1x128xi32, #tpu.memory_space<vmem>> -> memref<128xi32, #tpu.memory_space<vmem>>
        %dma_wait3A_434 = arith.constant 0 : i32
        %dma_wait3A_435 = arith.constant 0 : i32
        %dma_wait3A_436 = tpu.memref_slice %arg3[%dma_wait3A_434, %dma_wait3A_435] : memref<1000000x64xf32, #tpu.memory_space<hbm>> -> memref<1000000x64xf32, #tpu.memory_space<hbm>>
        tpu.wait_indirect_dma semaphore(%arg11 : memref<!tpu.dma_semaphore, #tpu.memory_space<semaphore_mem>>) src(%dma_wait3A_436 : memref<1000000x64xf32, #tpu.memory_space<hbm>>) dst(%dma_wait3A_430 : memref<128x64xf32, #tpu.memory_space<vmem>>)
        %dma_wait3A_437 = arith.constant 2 : i32
        %dma_wait3A_438 = arith.constant 2 : i32
        %dma_wait3A_439 = arith.constant 128 : i32
        %dma_wait3A_440 = arith.constant 0 : i32
        %dma_wait3A_441 = tpu.memref_slice %arg7[%dma_wait3A_438, %dma_wait3A_439, %dma_wait3A_440] : memref<4x200x64xf32, #tpu.memory_space<vmem>> -> memref<1x72x64xf32, #tpu.memory_space<vmem>>
        %dma_wait3A_442 = tpu.memref_squeeze %dma_wait3A_441 : memref<1x72x64xf32, #tpu.memory_space<vmem>> -> memref<72x64xf32, #tpu.memory_space<vmem>>
        %dma_wait3A_443 = arith.constant 128 : i32
        %dma_wait3A_444 = tpu.memref_slice %arg5[%dma_wait3A_437, %dma_wait3A_443] : memref<4x200xi32, #tpu.memory_space<vmem>> -> memref<1x72xi32, #tpu.memory_space<vmem>>
        %dma_wait3A_445 = tpu.memref_squeeze %dma_wait3A_444 : memref<1x72xi32, #tpu.memory_space<vmem>> -> memref<72xi32, #tpu.memory_space<vmem>>
        %dma_wait3A_446 = arith.constant 0 : i32
        %dma_wait3A_447 = arith.constant 0 : i32
        %dma_wait3A_448 = tpu.memref_slice %arg3[%dma_wait3A_446, %dma_wait3A_447] : memref<1000000x64xf32, #tpu.memory_space<hbm>> -> memref<1000000x64xf32, #tpu.memory_space<hbm>>
        tpu.wait_indirect_dma semaphore(%arg11 : memref<!tpu.dma_semaphore, #tpu.memory_space<semaphore_mem>>) src(%dma_wait3A_448 : memref<1000000x64xf32, #tpu.memory_space<hbm>>) dst(%dma_wait3A_442 : memref<72x64xf32, #tpu.memory_space<vmem>>)
        %dma_wait3A_449 = arith.constant 3 : i32
        %dma_wait3A_450 = arith.constant 3 : i32
        %dma_wait3A_451 = arith.constant 0 : i32
        %dma_wait3A_452 = arith.constant 0 : i32
        %dma_wait3A_453 = tpu.memref_slice %arg7[%dma_wait3A_450, %dma_wait3A_451, %dma_wait3A_452] : memref<4x200x64xf32, #tpu.memory_space<vmem>> -> memref<1x128x64xf32, #tpu.memory_space<vmem>>
        %dma_wait3A_454 = tpu.memref_squeeze %dma_wait3A_453 : memref<1x128x64xf32, #tpu.memory_space<vmem>> -> memref<128x64xf32, #tpu.memory_space<vmem>>
        %dma_wait3A_455 = arith.constant 0 : i32
        %dma_wait3A_456 = tpu.memref_slice %arg5[%dma_wait3A_449, %dma_wait3A_455] : memref<4x200xi32, #tpu.memory_space<vmem>> -> memref<1x128xi32, #tpu.memory_space<vmem>>
        %dma_wait3A_457 = tpu.memref_squeeze %dma_wait3A_456 : memref<1x128xi32, #tpu.memory_space<vmem>> -> memref<128xi32, #tpu.memory_space<vmem>>
        %dma_wait3A_458 = arith.constant 0 : i32
        %dma_wait3A_459 = arith.constant 0 : i32
        %dma_wait3A_460 = tpu.memref_slice %arg3[%dma_wait3A_458, %dma_wait3A_459] : memref<1000000x64xf32, #tpu.memory_space<hbm>> -> memref<1000000x64xf32, #tpu.memory_space<hbm>>
        tpu.wait_indirect_dma semaphore(%arg11 : memref<!tpu.dma_semaphore, #tpu.memory_space<semaphore_mem>>) src(%dma_wait3A_460 : memref<1000000x64xf32, #tpu.memory_space<hbm>>) dst(%dma_wait3A_454 : memref<128x64xf32, #tpu.memory_space<vmem>>)
        %dma_wait3A_461 = arith.constant 3 : i32
        %dma_wait3A_462 = arith.constant 3 : i32
        %dma_wait3A_463 = arith.constant 128 : i32
        %dma_wait3A_464 = arith.constant 0 : i32
        %dma_wait3A_465 = tpu.memref_slice %arg7[%dma_wait3A_462, %dma_wait3A_463, %dma_wait3A_464] : memref<4x200x64xf32, #tpu.memory_space<vmem>> -> memref<1x72x64xf32, #tpu.memory_space<vmem>>
        %dma_wait3A_466 = tpu.memref_squeeze %dma_wait3A_465 : memref<1x72x64xf32, #tpu.memory_space<vmem>> -> memref<72x64xf32, #tpu.memory_space<vmem>>
        %dma_wait3A_467 = arith.constant 128 : i32
        %dma_wait3A_468 = tpu.memref_slice %arg5[%dma_wait3A_461, %dma_wait3A_467] : memref<4x200xi32, #tpu.memory_space<vmem>> -> memref<1x72xi32, #tpu.memory_space<vmem>>
        %dma_wait3A_469 = tpu.memref_squeeze %dma_wait3A_468 : memref<1x72xi32, #tpu.memory_space<vmem>> -> memref<72xi32, #tpu.memory_space<vmem>>
        %dma_wait3A_470 = arith.constant 0 : i32
        %dma_wait3A_471 = arith.constant 0 : i32
        %dma_wait3A_472 = tpu.memref_slice %arg3[%dma_wait3A_470, %dma_wait3A_471] : memref<1000000x64xf32, #tpu.memory_space<hbm>> -> memref<1000000x64xf32, #tpu.memory_space<hbm>>
        tpu.wait_indirect_dma semaphore(%arg11 : memref<!tpu.dma_semaphore, #tpu.memory_space<semaphore_mem>>) src(%dma_wait3A_472 : memref<1000000x64xf32, #tpu.memory_space<hbm>>) dst(%dma_wait3A_466 : memref<72x64xf32, #tpu.memory_space<vmem>>)
        %sub3A = arith.constant 1 : i32
        %sub3A_473 = arith.subi %add3A_256, %sub3A : i32
        %mul3A_474 = arith.constant 4 : i32
        %mul3A_475 = arith.muli %sub3A_473, %mul3A_474 : i32
        %add3A_476 = arith.addi %mul3A_2, %mul3A_475 : i32
        %dma_start3A_477 = arith.constant 0 : i32
        %dma_start3A_478 = arith.constant 0 : i32
        %dma_start3A_479 = tpu.memref_slice %arg4[%add3A_476, %dma_start3A_477, %dma_start3A_478] : memref<16384x200x64xf32, #tpu.memory_space<hbm>> -> memref<4x200x64xf32, #tpu.memory_space<hbm>>
        %dma_start3A_480 = arith.constant 0 : i32
        %dma_start3A_481 = arith.constant 0 : i32
        %dma_start3A_482 = tpu.memref_slice %arg4[%add3A_476, %dma_start3A_480, %dma_start3A_481] : memref<16384x200x64xf32, #tpu.memory_space<hbm>> -> memref<4x200x64xf32, #tpu.memory_space<hbm>>
        tpu.enqueue_dma source(%arg7 : memref<4x200x64xf32, #tpu.memory_space<vmem>>) target(%dma_start3A_482 : memref<4x200x64xf32, #tpu.memory_space<hbm>>) target_semaphore(%arg13 : memref<!tpu.dma_semaphore, #tpu.memory_space<semaphore_mem>>)
      } else {
      }
      %add3A_370 = arith.constant 1 : i32
      %add3A_371 = arith.addi %add3A_256, %add3A_370 : i32
      %lt3A_372 = arith.constant 128 : i32
      %lt3A_373 = arith.cmpi slt, %add3A_371, %lt3A_372 : i32
      %convert_element_type3A_374 = arith.extui %lt3A_373 : i1 to i32
      %cond3A_375 = arith.constant 0 : i32
      %cond3A_376 = arith.cmpi ne, %convert_element_type3A_374, %cond3A_375 : i32
      scf.if %cond3A_376 {
        %add3A_377 = arith.constant 1 : i32
        %add3A_378 = arith.addi %add3A_256, %add3A_377 : i32
        %mul3A_379 = arith.constant 4 : i32
        %mul3A_380 = arith.muli %add3A_378, %mul3A_379 : i32
        %add3A_381 = arith.addi %mul3A_2, %mul3A_380 : i32
        %dma_start3A_382 = arith.constant 0 : i32
        %dma_start3A_383 = tpu.memref_slice %arg2[%add3A_381, %dma_start3A_382] : memref<16384x200xi32, #tpu.memory_space<hbm>> -> memref<4x200xi32, #tpu.memory_space<hbm>>
        %dma_start3A_384 = arith.constant 0 : i32
        %dma_start3A_385 = tpu.memref_slice %arg2[%add3A_381, %dma_start3A_384] : memref<16384x200xi32, #tpu.memory_space<hbm>> -> memref<4x200xi32, #tpu.memory_space<hbm>>
        tpu.enqueue_dma source(%dma_start3A_385 : memref<4x200xi32, #tpu.memory_space<hbm>>) target(%arg5 : memref<4x200xi32, #tpu.memory_space<vmem>>) target_semaphore(%arg9 : memref<!tpu.dma_semaphore, #tpu.memory_space<semaphore_mem>>)
      } else {
      }
    }
    %scan3A_12 = arith.constant 64 : i32
    %dma_wait3A = arith.constant 0 : i32
    %dma_wait3A_13 = arith.constant 0 : i32
    %dma_wait3A_14 = arith.constant 0 : i32
    %dma_wait3A_15 = arith.constant 0 : i32
    %dma_wait3A_16 = tpu.memref_slice %arg8[%dma_wait3A_13, %dma_wait3A_14, %dma_wait3A_15] : memref<4x200x64xf32, #tpu.memory_space<vmem>> -> memref<1x128x64xf32, #tpu.memory_space<vmem>>
    %dma_wait3A_17 = tpu.memref_squeeze %dma_wait3A_16 : memref<1x128x64xf32, #tpu.memory_space<vmem>> -> memref<128x64xf32, #tpu.memory_space<vmem>>
    %dma_wait3A_18 = arith.constant 0 : i32
    %dma_wait3A_19 = tpu.memref_slice %arg6[%dma_wait3A, %dma_wait3A_18] : memref<4x200xi32, #tpu.memory_space<vmem>> -> memref<1x128xi32, #tpu.memory_space<vmem>>
    %dma_wait3A_20 = tpu.memref_squeeze %dma_wait3A_19 : memref<1x128xi32, #tpu.memory_space<vmem>> -> memref<128xi32, #tpu.memory_space<vmem>>
    %dma_wait3A_21 = arith.constant 0 : i32
    %dma_wait3A_22 = arith.constant 0 : i32
    %dma_wait3A_23 = tpu.memref_slice %arg3[%dma_wait3A_21, %dma_wait3A_22] : memref<1000000x64xf32, #tpu.memory_space<hbm>> -> memref<1000000x64xf32, #tpu.memory_space<hbm>>
    tpu.wait_indirect_dma semaphore(%arg12 : memref<!tpu.dma_semaphore, #tpu.memory_space<semaphore_mem>>) src(%dma_wait3A_23 : memref<1000000x64xf32, #tpu.memory_space<hbm>>) dst(%dma_wait3A_17 : memref<128x64xf32, #tpu.memory_space<vmem>>)
    %dma_wait3A_24 = arith.constant 0 : i32
    %dma_wait3A_25 = arith.constant 0 : i32
    %dma_wait3A_26 = arith.constant 128 : i32
    %dma_wait3A_27 = arith.constant 0 : i32
    %dma_wait3A_28 = tpu.memref_slice %arg8[%dma_wait3A_25, %dma_wait3A_26, %dma_wait3A_27] : memref<4x200x64xf32, #tpu.memory_space<vmem>> -> memref<1x72x64xf32, #tpu.memory_space<vmem>>
    %dma_wait3A_29 = tpu.memref_squeeze %dma_wait3A_28 : memref<1x72x64xf32, #tpu.memory_space<vmem>> -> memref<72x64xf32, #tpu.memory_space<vmem>>
    %dma_wait3A_30 = arith.constant 128 : i32
    %dma_wait3A_31 = tpu.memref_slice %arg6[%dma_wait3A_24, %dma_wait3A_30] : memref<4x200xi32, #tpu.memory_space<vmem>> -> memref<1x72xi32, #tpu.memory_space<vmem>>
    %dma_wait3A_32 = tpu.memref_squeeze %dma_wait3A_31 : memref<1x72xi32, #tpu.memory_space<vmem>> -> memref<72xi32, #tpu.memory_space<vmem>>
    %dma_wait3A_33 = arith.constant 0 : i32
    %dma_wait3A_34 = arith.constant 0 : i32
    %dma_wait3A_35 = tpu.memref_slice %arg3[%dma_wait3A_33, %dma_wait3A_34] : memref<1000000x64xf32, #tpu.memory_space<hbm>> -> memref<1000000x64xf32, #tpu.memory_space<hbm>>
    tpu.wait_indirect_dma semaphore(%arg12 : memref<!tpu.dma_semaphore, #tpu.memory_space<semaphore_mem>>) src(%dma_wait3A_35 : memref<1000000x64xf32, #tpu.memory_space<hbm>>) dst(%dma_wait3A_29 : memref<72x64xf32, #tpu.memory_space<vmem>>)
    %dma_wait3A_36 = arith.constant 1 : i32
    %dma_wait3A_37 = arith.constant 1 : i32
    %dma_wait3A_38 = arith.constant 0 : i32
    %dma_wait3A_39 = arith.constant 0 : i32
    %dma_wait3A_40 = tpu.memref_slice %arg8[%dma_wait3A_37, %dma_wait3A_38, %dma_wait3A_39] : memref<4x200x64xf32, #tpu.memory_space<vmem>> -> memref<1x128x64xf32, #tpu.memory_space<vmem>>
    %dma_wait3A_41 = tpu.memref_squeeze %dma_wait3A_40 : memref<1x128x64xf32, #tpu.memory_space<vmem>> -> memref<128x64xf32, #tpu.memory_space<vmem>>
    %dma_wait3A_42 = arith.constant 0 : i32
    %dma_wait3A_43 = tpu.memref_slice %arg6[%dma_wait3A_36, %dma_wait3A_42] : memref<4x200xi32, #tpu.memory_space<vmem>> -> memref<1x128xi32, #tpu.memory_space<vmem>>
    %dma_wait3A_44 = tpu.memref_squeeze %dma_wait3A_43 : memref<1x128xi32, #tpu.memory_space<vmem>> -> memref<128xi32, #tpu.memory_space<vmem>>
    %dma_wait3A_45 = arith.constant 0 : i32
    %dma_wait3A_46 = arith.constant 0 : i32
    %dma_wait3A_47 = tpu.memref_slice %arg3[%dma_wait3A_45, %dma_wait3A_46] : memref<1000000x64xf32, #tpu.memory_space<hbm>> -> memref<1000000x64xf32, #tpu.memory_space<hbm>>
    tpu.wait_indirect_dma semaphore(%arg12 : memref<!tpu.dma_semaphore, #tpu.memory_space<semaphore_mem>>) src(%dma_wait3A_47 : memref<1000000x64xf32, #tpu.memory_space<hbm>>) dst(%dma_wait3A_41 : memref<128x64xf32, #tpu.memory_space<vmem>>)
    %dma_wait3A_48 = arith.constant 1 : i32
    %dma_wait3A_49 = arith.constant 1 : i32
    %dma_wait3A_50 = arith.constant 128 : i32
    %dma_wait3A_51 = arith.constant 0 : i32
    %dma_wait3A_52 = tpu.memref_slice %arg8[%dma_wait3A_49, %dma_wait3A_50, %dma_wait3A_51] : memref<4x200x64xf32, #tpu.memory_space<vmem>> -> memref<1x72x64xf32, #tpu.memory_space<vmem>>
    %dma_wait3A_53 = tpu.memref_squeeze %dma_wait3A_52 : memref<1x72x64xf32, #tpu.memory_space<vmem>> -> memref<72x64xf32, #tpu.memory_space<vmem>>
    %dma_wait3A_54 = arith.constant 128 : i32
    %dma_wait3A_55 = tpu.memref_slice %arg6[%dma_wait3A_48, %dma_wait3A_54] : memref<4x200xi32, #tpu.memory_space<vmem>> -> memref<1x72xi32, #tpu.memory_space<vmem>>
    %dma_wait3A_56 = tpu.memref_squeeze %dma_wait3A_55 : memref<1x72xi32, #tpu.memory_space<vmem>> -> memref<72xi32, #tpu.memory_space<vmem>>
    %dma_wait3A_57 = arith.constant 0 : i32
    %dma_wait3A_58 = arith.constant 0 : i32
    %dma_wait3A_59 = tpu.memref_slice %arg3[%dma_wait3A_57, %dma_wait3A_58] : memref<1000000x64xf32, #tpu.memory_space<hbm>> -> memref<1000000x64xf32, #tpu.memory_space<hbm>>
    tpu.wait_indirect_dma semaphore(%arg12 : memref<!tpu.dma_semaphore, #tpu.memory_space<semaphore_mem>>) src(%dma_wait3A_59 : memref<1000000x64xf32, #tpu.memory_space<hbm>>) dst(%dma_wait3A_53 : memref<72x64xf32, #tpu.memory_space<vmem>>)
    %dma_wait3A_60 = arith.constant 2 : i32
    %dma_wait3A_61 = arith.constant 2 : i32
    %dma_wait3A_62 = arith.constant 0 : i32
    %dma_wait3A_63 = arith.constant 0 : i32
    %dma_wait3A_64 = tpu.memref_slice %arg8[%dma_wait3A_61, %dma_wait3A_62, %dma_wait3A_63] : memref<4x200x64xf32, #tpu.memory_space<vmem>> -> memref<1x128x64xf32, #tpu.memory_space<vmem>>
    %dma_wait3A_65 = tpu.memref_squeeze %dma_wait3A_64 : memref<1x128x64xf32, #tpu.memory_space<vmem>> -> memref<128x64xf32, #tpu.memory_space<vmem>>
    %dma_wait3A_66 = arith.constant 0 : i32
    %dma_wait3A_67 = tpu.memref_slice %arg6[%dma_wait3A_60, %dma_wait3A_66] : memref<4x200xi32, #tpu.memory_space<vmem>> -> memref<1x128xi32, #tpu.memory_space<vmem>>
    %dma_wait3A_68 = tpu.memref_squeeze %dma_wait3A_67 : memref<1x128xi32, #tpu.memory_space<vmem>> -> memref<128xi32, #tpu.memory_space<vmem>>
    %dma_wait3A_69 = arith.constant 0 : i32
    %dma_wait3A_70 = arith.constant 0 : i32
    %dma_wait3A_71 = tpu.memref_slice %arg3[%dma_wait3A_69, %dma_wait3A_70] : memref<1000000x64xf32, #tpu.memory_space<hbm>> -> memref<1000000x64xf32, #tpu.memory_space<hbm>>
    tpu.wait_indirect_dma semaphore(%arg12 : memref<!tpu.dma_semaphore, #tpu.memory_space<semaphore_mem>>) src(%dma_wait3A_71 : memref<1000000x64xf32, #tpu.memory_space<hbm>>) dst(%dma_wait3A_65 : memref<128x64xf32, #tpu.memory_space<vmem>>)
    %dma_wait3A_72 = arith.constant 2 : i32
    %dma_wait3A_73 = arith.constant 2 : i32
    %dma_wait3A_74 = arith.constant 128 : i32
    %dma_wait3A_75 = arith.constant 0 : i32
    %dma_wait3A_76 = tpu.memref_slice %arg8[%dma_wait3A_73, %dma_wait3A_74, %dma_wait3A_75] : memref<4x200x64xf32, #tpu.memory_space<vmem>> -> memref<1x72x64xf32, #tpu.memory_space<vmem>>
    %dma_wait3A_77 = tpu.memref_squeeze %dma_wait3A_76 : memref<1x72x64xf32, #tpu.memory_space<vmem>> -> memref<72x64xf32, #tpu.memory_space<vmem>>
    %dma_wait3A_78 = arith.constant 128 : i32
    %dma_wait3A_79 = tpu.memref_slice %arg6[%dma_wait3A_72, %dma_wait3A_78] : memref<4x200xi32, #tpu.memory_space<vmem>> -> memref<1x72xi32, #tpu.memory_space<vmem>>
    %dma_wait3A_80 = tpu.memref_squeeze %dma_wait3A_79 : memref<1x72xi32, #tpu.memory_space<vmem>> -> memref<72xi32, #tpu.memory_space<vmem>>
    %dma_wait3A_81 = arith.constant 0 : i32
    %dma_wait3A_82 = arith.constant 0 : i32
    %dma_wait3A_83 = tpu.memref_slice %arg3[%dma_wait3A_81, %dma_wait3A_82] : memref<1000000x64xf32, #tpu.memory_space<hbm>> -> memref<1000000x64xf32, #tpu.memory_space<hbm>>
    tpu.wait_indirect_dma semaphore(%arg12 : memref<!tpu.dma_semaphore, #tpu.memory_space<semaphore_mem>>) src(%dma_wait3A_83 : memref<1000000x64xf32, #tpu.memory_space<hbm>>) dst(%dma_wait3A_77 : memref<72x64xf32, #tpu.memory_space<vmem>>)
    %dma_wait3A_84 = arith.constant 3 : i32
    %dma_wait3A_85 = arith.constant 3 : i32
    %dma_wait3A_86 = arith.constant 0 : i32
    %dma_wait3A_87 = arith.constant 0 : i32
    %dma_wait3A_88 = tpu.memref_slice %arg8[%dma_wait3A_85, %dma_wait3A_86, %dma_wait3A_87] : memref<4x200x64xf32, #tpu.memory_space<vmem>> -> memref<1x128x64xf32, #tpu.memory_space<vmem>>
    %dma_wait3A_89 = tpu.memref_squeeze %dma_wait3A_88 : memref<1x128x64xf32, #tpu.memory_space<vmem>> -> memref<128x64xf32, #tpu.memory_space<vmem>>
    %dma_wait3A_90 = arith.constant 0 : i32
    %dma_wait3A_91 = tpu.memref_slice %arg6[%dma_wait3A_84, %dma_wait3A_90] : memref<4x200xi32, #tpu.memory_space<vmem>> -> memref<1x128xi32, #tpu.memory_space<vmem>>
    %dma_wait3A_92 = tpu.memref_squeeze %dma_wait3A_91 : memref<1x128xi32, #tpu.memory_space<vmem>> -> memref<128xi32, #tpu.memory_space<vmem>>
    %dma_wait3A_93 = arith.constant 0 : i32
    %dma_wait3A_94 = arith.constant 0 : i32
    %dma_wait3A_95 = tpu.memref_slice %arg3[%dma_wait3A_93, %dma_wait3A_94] : memref<1000000x64xf32, #tpu.memory_space<hbm>> -> memref<1000000x64xf32, #tpu.memory_space<hbm>>
    tpu.wait_indirect_dma semaphore(%arg12 : memref<!tpu.dma_semaphore, #tpu.memory_space<semaphore_mem>>) src(%dma_wait3A_95 : memref<1000000x64xf32, #tpu.memory_space<hbm>>) dst(%dma_wait3A_89 : memref<128x64xf32, #tpu.memory_space<vmem>>)
    %dma_wait3A_96 = arith.constant 3 : i32
    %dma_wait3A_97 = arith.constant 3 : i32
    %dma_wait3A_98 = arith.constant 128 : i32
    %dma_wait3A_99 = arith.constant 0 : i32
    %dma_wait3A_100 = tpu.memref_slice %arg8[%dma_wait3A_97, %dma_wait3A_98, %dma_wait3A_99] : memref<4x200x64xf32, #tpu.memory_space<vmem>> -> memref<1x72x64xf32, #tpu.memory_space<vmem>>
    %dma_wait3A_101 = tpu.memref_squeeze %dma_wait3A_100 : memref<1x72x64xf32, #tpu.memory_space<vmem>> -> memref<72x64xf32, #tpu.memory_space<vmem>>
    %dma_wait3A_102 = arith.constant 128 : i32
    %dma_wait3A_103 = tpu.memref_slice %arg6[%dma_wait3A_96, %dma_wait3A_102] : memref<4x200xi32, #tpu.memory_space<vmem>> -> memref<1x72xi32, #tpu.memory_space<vmem>>
    %dma_wait3A_104 = tpu.memref_squeeze %dma_wait3A_103 : memref<1x72xi32, #tpu.memory_space<vmem>> -> memref<72xi32, #tpu.memory_space<vmem>>
    %dma_wait3A_105 = arith.constant 0 : i32
    %dma_wait3A_106 = arith.constant 0 : i32
    %dma_wait3A_107 = tpu.memref_slice %arg3[%dma_wait3A_105, %dma_wait3A_106] : memref<1000000x64xf32, #tpu.memory_space<hbm>> -> memref<1000000x64xf32, #tpu.memory_space<hbm>>
    tpu.wait_indirect_dma semaphore(%arg12 : memref<!tpu.dma_semaphore, #tpu.memory_space<semaphore_mem>>) src(%dma_wait3A_107 : memref<1000000x64xf32, #tpu.memory_space<hbm>>) dst(%dma_wait3A_101 : memref<72x64xf32, #tpu.memory_space<vmem>>)
    %add3A_108 = arith.constant 508 : i32
    %add3A_109 = arith.addi %mul3A_2, %add3A_108 : i32
    %dma_start3A_110 = arith.constant 0 : i32
    %dma_start3A_111 = arith.constant 0 : i32
    %dma_start3A_112 = tpu.memref_slice %arg4[%add3A_109, %dma_start3A_110, %dma_start3A_111] : memref<16384x200x64xf32, #tpu.memory_space<hbm>> -> memref<4x200x64xf32, #tpu.memory_space<hbm>>
    %dma_start3A_113 = arith.constant 0 : i32
    %dma_start3A_114 = arith.constant 0 : i32
    %dma_start3A_115 = tpu.memref_slice %arg4[%add3A_109, %dma_start3A_113, %dma_start3A_114] : memref<16384x200x64xf32, #tpu.memory_space<hbm>> -> memref<4x200x64xf32, #tpu.memory_space<hbm>>
    tpu.enqueue_dma source(%arg8 : memref<4x200x64xf32, #tpu.memory_space<vmem>>) target(%dma_start3A_115 : memref<4x200x64xf32, #tpu.memory_space<hbm>>) target_semaphore(%arg14 : memref<!tpu.dma_semaphore, #tpu.memory_space<semaphore_mem>>)
    %add3A_116 = arith.constant 504 : i32
    %add3A_117 = arith.addi %mul3A_2, %add3A_116 : i32
    %dma_wait3A_118 = arith.constant 0 : i32
    %dma_wait3A_119 = arith.constant 0 : i32
    %dma_wait3A_120 = tpu.memref_slice %arg4[%add3A_117, %dma_wait3A_118, %dma_wait3A_119] : memref<16384x200x64xf32, #tpu.memory_space<hbm>> -> memref<4x200x64xf32, #tpu.memory_space<hbm>>
    %dma_wait3A_121 = arith.constant 0 : i32
    %dma_wait3A_122 = arith.constant 0 : i32
    %dma_wait3A_123 = tpu.memref_slice %arg4[%add3A_117, %dma_wait3A_121, %dma_wait3A_122] : memref<16384x200x64xf32, #tpu.memory_space<hbm>> -> memref<4x200x64xf32, #tpu.memory_space<hbm>>
    tpu.wait_dma2 semaphore(%arg13 : memref<!tpu.dma_semaphore, #tpu.memory_space<semaphore_mem>>) src(%arg7 : memref<4x200x64xf32, #tpu.memory_space<vmem>>) dst(%dma_wait3A_123 : memref<4x200x64xf32, #tpu.memory_space<hbm>>)
    %add3A_124 = arith.constant 508 : i32
    %add3A_125 = arith.addi %mul3A_2, %add3A_124 : i32
    %dma_wait3A_126 = arith.constant 0 : i32
    %dma_wait3A_127 = arith.constant 0 : i32
    %dma_wait3A_128 = tpu.memref_slice %arg4[%add3A_125, %dma_wait3A_126, %dma_wait3A_127] : memref<16384x200x64xf32, #tpu.memory_space<hbm>> -> memref<4x200x64xf32, #tpu.memory_space<hbm>>
    %dma_wait3A_129 = arith.constant 0 : i32
    %dma_wait3A_130 = arith.constant 0 : i32
    %dma_wait3A_131 = tpu.memref_slice %arg4[%add3A_125, %dma_wait3A_129, %dma_wait3A_130] : memref<16384x200x64xf32, #tpu.memory_space<hbm>> -> memref<4x200x64xf32, #tpu.memory_space<hbm>>
    tpu.wait_dma2 semaphore(%arg14 : memref<!tpu.dma_semaphore, #tpu.memory_space<semaphore_mem>>) src(%arg8 : memref<4x200x64xf32, #tpu.memory_space<vmem>>) dst(%dma_wait3A_131 : memref<4x200x64xf32, #tpu.memory_space<hbm>>)
    return
  }
}

</mosaic_0001>

<sc_bundles>
// kernel: kernel.3.cloned.1.call-start
scs
__scs_entry_jumppad:
0x0: {  	(pc) =	sbr.rel $0x88, $3  }
0x1: {  	(tag) =	ssettag $0x0;
	lr =	simm.s32 $0x1  }
0x2: {  	[smem:$0x3F9F] =	sst lr;
	_ =	strace $0xD0000000  }
0x3: {  	_ = 	snop  }
0x4: {  	_ = 	snop  }
0x5: {  	_ = 	snop  }
0x6: {  	_ = 	snop  }
0x7: {  	_ = 	snop  }
__scs_overlays_trampoline_lowered:
0x8: {  	[smem:$0x3FAE] =	sst s0  }
0x9: {  	[smem:$0x3FAF] =	sst s1  }
0xa: {  	[smem:$0x3FB0] =	sst s2  }
0xb: {  	[smem:$0x3FB1] =	sst s3  }
0xc: {  	[smem:$0x3FB2] =	sst s4  }
0xd: {  	[smem:$0x3FB3] =	sst s5  }
0xe: {  	[smem:$0x3FB4] =	sst s6  }
0xf: {  	[smem:$0x3FB5] =	sst s7  }
0x10: {  	[smem:$0x3FB6] =	sst s8  }
0x11: {  	[smem:$0x3FB7] =	sst s9;
	s0 =	simm.s32 @!p0 $0x0  }
0x12: {  	s1 =	sld [smem:$0x3F9D];
	s0 =	simm.s32 @p0 $0x1  }
0x13: {  	[smem:$0x3FB8] =	sst s0;
	s0 =	simm.s32 @!p1 $0x0  }
0x14: {  	s2 =	sld [smem:$0x3F9C];
	s0 =	simm.s32 @p1 $0x1  }
0x15: {  	[smem:$0x3FB9] =	sst s0;
	s0 =	simm.s32 @!p2 $0x0  }
0x16: {  	s3 =	sld [smem:$0x3FDB];
	s0 =	simm.s32 @p2 $0x1  }
0x17: {  	s4 =	simm.s32 $0x1BF5;
	[smem:$0x3FBB] =	sst s0  }
0x18: {  	s0 =	sld [smem:$0x3F9E];
	_ =	swait.ge [sflag:s4], $0x0  }
0x19: {  	s7 =	sld [smem:$0x3F9F]  }
0x1a: {  	s8 =	sadd.s32 $0xFFFFE003, lr  }
0x1b: {  	s9 =	sadd.s32 $0xFFFFFEF7, lr;
	s5 =	simm.s32 $0xFFFFFFFF;
	p2 =	slt.u32 s8, $0xFFFFF086  }
0x1c: {  	p1 =	slt.u32 s9, $0xF7A;
	s5 =	simm.s32 @!p2 $0x0  }
0x1d: {  	s5 =	simm.s32 @p1 $0x1;
	p0 =	seq.s32 s7, s2  }
0x1e: {  	s7 =	smul.u32 @!p0 $0xF7A, s2;
	p2 =	seq.s32 @!p0 s5, $0x0  }
0x1f: {  	s9 =	smul.u32 $0xF7A, s1;
	s8 =	simm.s32 @!p0 $0x1BF5;
	p2 =	por !p2, p0  }
0x20: {  	[sflag:s8] =	ssyncset.s32 @!p0 $0xFFFFF086;
	s6 =	sadd.s32 @!p0 s3, s7;
	s7 =	simm.s32 @!p0 $0x108  }
0x21: {  	s3 =	sadd.s32 s3, s9;
	s6 =	sadd.s32 @!p0 $0x88, s6;
	s7 =	simm.s32 @p2 $0x1082  }
0x22: {  	[simem:s7], [sflag:s8] =	dma.local @!p0 [hbm:s6], $0xF7A  }
0x23: {  	s9 =	sor.u32 $0xD0000000, s2;
	s6 =	simm.s32 $0x108;
	_ =	swait.ge @!p0 [sflag:s8], $0x0  }
0x24: {  	s3 =	sadd.s32 $0x88, s3;
	s6 =	simm.s32 @!p1 $0x1082;
	[sflag:s4] =	ssyncset.s32 $0xFFFFF086  }
0x25: {  	[simem:s6], [sflag:s4] =	dma.local [hbm:s3], $0xF7A  }
0x26: {  	[smem:$0x3F9F] =	sst s1;
	(tag) =	ssettag s2;
	_ =	strace s9  }
0x27: {  	s1 =	sld [smem:$0x3FAF]  }
0x28: {  	s2 =	sld [smem:$0x3FB0]  }
0x29: {  	s4 =	sld [smem:$0x3FB2]  }
0x2a: {  	p0 =	seq.s32 s5, $0x0;
	s5 =	sld [smem:$0x3FB3]  }
0x2b: {  	s6 =	sld [smem:$0x3FB4]  }
0x2c: {  	s7 =	sld [smem:$0x3FB5]  }
0x2d: {  	s3 =	simm.s32 $0x108;
	s8 =	sld [smem:$0x3FB6]  }
0x2e: {  	s3 =	simm.s32 @!p0 $0x1082;
	s9 =	sld [smem:$0x3FB7]  }
0x2f: {  	lr =	sadd.s32 s0, s3;
	s0 =	sld [smem:$0x3FAE]  }
0x30: {  	s3 =	sld [smem:$0x3FB1]  }
0x31: {  	[smem:$0x3FBA] =	sst s10  }
0x32: {  	s10 =	sld [smem:$0x3FB8];
	_ =	sdelay $0x3  }
0x33: {  	p0 =	seq.s32 s10, $0x1;
	s10 =	sld [smem:$0x3FBA];
	_ =	sdelay $0x3  }
0x34: {  	[smem:$0x3FBA] =	sst s10  }
0x35: {  	s10 =	sld [smem:$0x3FB9];
	_ =	sdelay $0x3  }
0x36: {  	p1 =	seq.s32 s10, $0x1;
	s10 =	sld [smem:$0x3FBA];
	_ =	sdelay $0x3  }
0x37: {  	[smem:$0x3FBA] =	sst s10  }
0x38: {  	s10 =	sld [smem:$0x3FBB]  }
0x39: {  	_ = 	snop;
	(pc) =	sbr.ind lr, $3  }
0x3a: {  	_ = 	snop  }
0x3b: {  	_ = 	snop  }
0x3c: {  	p2 =	seq.s32 s10, $0x1;
	s10 =	sld [smem:$0x3FBA]  }
0x3d: {  	_ =	shalt  }
0x3e: {  	_ =	shalt  }
0x3f: {  	_ =	shalt  }
0x40: {  	_ =	shalt  }
0x41: {  	_ =	shalt  }
0x42: {  	_ =	shalt  }
0x43: {  	_ =	shalt  }
0x44: {  	_ =	shalt  }
0x45: {  	_ =	shalt  }
0x46: {  	_ =	shalt  }
0x47: {  	_ =	shalt  }
0x48: {  	_ =	shalt  }
0x49: {  	_ =	shalt  }
0x4a: {  	_ =	shalt  }
0x4b: {  	_ =	shalt  }
0x4c: {  	_ =	shalt  }
0x4d: {  	_ =	shalt  }
0x4e: {  	_ =	shalt  }
0x4f: {  	_ =	shalt  }
0x50: {  	_ =	shalt  }
0x51: {  	_ =	shalt  }
0x52: {  	_ =	shalt  }
0x53: {  	_ =	shalt  }
0x54: {  	_ =	shalt  }
0x55: {  	_ =	shalt  }
0x56: {  	_ =	shalt  }
0x57: {  	_ =	shalt  }
0x58: {  	_ =	shalt  }
0x59: {  	_ =	shalt  }
0x5a: {  	_ =	shalt  }
0x5b: {  	_ =	shalt  }
0x5c: {  	_ =	shalt  }
0x5d: {  	_ =	shalt  }
0x5e: {  	_ =	shalt  }
0x5f: {  	_ =	shalt  }
0x60: {  	_ =	shalt  }
0x61: {  	_ =	shalt  }
0x62: {  	_ =	shalt  }
0x63: {  	_ =	shalt  }
0x64: {  	_ =	shalt  }
0x65: {  	_ =	shalt  }
0x66: {  	_ =	shalt  }
0x67: {  	_ =	shalt  }
0x68: {  	_ =	shalt  }
0x69: {  	_ =	shalt  }
0x6a: {  	_ =	shalt  }
0x6b: {  	_ =	shalt  }
0x6c: {  	_ =	shalt  }
0x6d: {  	_ =	shalt  }
0x6e: {  	_ =	shalt  }
0x6f: {  	_ =	shalt  }
0x70: {  	_ =	shalt  }
0x71: {  	_ =	shalt  }
0x72: {  	_ =	shalt  }
0x73: {  	_ =	shalt  }
0x74: {  	_ =	shalt  }
0x75: {  	_ =	shalt  }
0x76: {  	_ =	shalt  }
0x77: {  	_ =	shalt  }
0x78: {  	_ =	shalt  }
0x79: {  	_ =	shalt  }
0x7a: {  	_ =	shalt  }
0x7b: {  	_ =	shalt  }
0x7c: {  	_ =	shalt  }
0x7d: {  	_ =	shalt  }
0x7e: {  	_ =	shalt  }
0x7f: {  	_ =	shalt  }
0x80: {  	_ =	shalt  }
0x81: {  	_ =	shalt  }
0x82: {  	_ =	shalt  }
0x83: {  	_ =	shalt  }
0x84: {  	_ =	shalt  }
0x85: {  	_ =	shalt  }
0x86: {  	_ =	shalt  }
0x87: {  	_ =	shalt  }
.Lfunc_end0:
.L_simem_size_0:
called_computation.1_lowered:
.L_overlay_start_0:
0x88: {  	s2 =	sld [smem:$0x3FD9]  }
0x89: {  	s3 =	sld [smem:$0x3FFE];
	_ =	sdelay $0x1  }
0x8a: {  	s1 =	srdreg.scid  }
0x8b: {  	s0 =	sand.u32 $0x1, s1  }
0x8c: {  	s17 =	sshll.u32 s0, $0xA;
	s2 =	sadd.s32 s3, s2  }
0x8d: {  	s2 =	sadd.s32 s2, s17  }
0x8e: {  	[smem:$0x3FC6] =	sst s2  }
0x8f: {  	_ = 	snop  }
0x90: {  	s2 =	sld [smem:$0x3FD0];
	(tm) =	ssettm $0x1  }
0x91: {  	s18 =	sld [smem:$0x3FFB];
	_ =	sdelay $0x3  }
0x92: {  	_ =	strace s18  }
0x93: {  	s3 =	sld [smem:$0x3FFC];
	_ =	sdelay $0x3  }
0x94: {  	_ =	strace s3  }
0x95: {  	s3 =	sld [smem:$0x3FFD];
	_ =	sdelay $0x3  }
0x96: {  	_ =	strace s3  }
0x97: {  	_ =	strace $0x8FFFFFFF  }
0x98: {  	s19 =	sld [smem:$0x3FDB];
	_ =	sdelay $0x1  }
0x99: {  	s4 =	simm.s32 $_scs_section_size  }
0x9a: {  	s5 =	simm.s32 $_size__tile_overlayer_lowered;
	s6 =	simm.s32 $_tile_overlayer_lowered  }
0x9b: {  	s22 =	simm.s32 $0x1BFF;
	s21 =	sshll.u32 s6, $0x1;
	s3 =	sadd.s32 s4, s19  }
0x9c: {  	s7 =	simm.s32 $0x0;
	s20 =	sshll.u32 s5, $0x1;
	s5 =	sadd.s32 s21, s3  }
0x9d: {  	[timem:s7], [sflag:s22] =	dma.local [hbm:s5], s20  }
0x9e: {  	_ =	swait.ge [sflag:s22], s20  }
0x9f: {  	s4 =	ssub.s32 $0x0, s20;
	[sflag:s22] =	ssyncset.done $0x0  }
0xa0: {  	[sflag:s22] =	ssyncadd.s32 s4;
	_ =	sdelay $0x1  }
0xa1: {  	s23 =	simm.s32 $0x1B8B  }
0xa2: {  	_ =	swait.ge [sflag:s23], $0x1  }
0xa3: {  	[sflag:s23] =	ssyncset.done $0x0  }
0xa4: {  	s25 =	simm.s32 $0x1B8E;
	s24 =	sld [smem:$0x3FFE];
	[sflag:s23] =	ssyncadd.s32 $0xFFFFFFFF  }
0xa5: {  	s26 =	simm.s32 $execute0_lowered;
	[smem:$0x3FD2] =	sst s25  }
0xa6: {  	s5 =	sshll.u32 s26, $0x1;
	_ =	strace $0x80000046;
	[dreg:$0x1] =	wrdreg $0xFFFFFFFF  }
0xa7: {  	s28 =	simm.s32 $_size_execute0_lowered;
	s3 =	sadd.s32 s3, s5;
	[dreg:$0x0] =	wrdreg $0x0  }
0xa8: {  	s5 =	sshll.u32 s28, $0x1;
	[dreg:$0x2] =	wrdreg s3  }
0xa9: {  	[dreg:$0x3] =	wrdreg s5  }
0xaa: {  	[dreg:$0x4] =	wrdreg $0xC0  }
0xab: {  	_ =	task [dreg:s7], $0x5FFFF  }
0xac: {  	[dreg:$0x1] =	wrdreg $0xFFFFFFFF  }
0xad: {  	[dreg:$0x0] =	wrdreg $0x60  }
0xae: {  	[dreg:$0x2] =	wrdreg s24  }
0xaf: {  	[dreg:$0x3] =	wrdreg s2  }
0xb0: {  	[dreg:$0x4] =	wrdreg $0x9  }
0xb1: {  	_ =	task.clear_ibuf [dreg:s7], $0x5FFFF;
	_ =	strace $0x90000046  }
0xb2: {  	s29 =	simm.s32 $0x9;
	_ =	strace $0x80000048  }
0xb3: {  	_ =	swait.ge [sflag:s29], $0x1  }
0xb4: {  	[sflag:s29] =	ssyncadd.s32 $0xFFFFFFFF  }
0xb5: {  	_ =	strace $0x90000048  }
0xb6: {  	_ =	sfence  }
0xb7: {  	s30 =	sld [smem:$0x0];
	_ =	sdelay $0x2  }
0xb8: {  	s31 =	sshll.u32 s1, $0xD;
	s1 =	sshrl.u32 s1, $0x2  }
0xb9: {  	s3 =	sand.u32 $0x4000, s31;
	s1 =	sadd.s32 s1, s30  }
0xba: {  	s0 =	sor.u32 s3, s0;
	s1 =	sshll.u32 s1, $0x11  }
0xbb: {  	s0 =	sor.u32 s1, s0  }
0xbc: {  	s0 =	sadd.s32 $0x8F2B, s0  }
0xbd: {  	[sflag:s0] =	ssyncadd.remote.s32 $0x1  }
0xbe: {  	_ =	sfence.sel $0xFFFF  }
0xbf: {  	[dreg:$0x0] =	wrdreg $0xFFFFFFFF;
	(pc) =	sbr.abs _section_cstart, $3  }
0xc0: {  	[dreg:$0x1] =	wrdreg $0xFFFFFFFF  }
0xc1: {  	_ =	task.clear_ibuf [dreg:s7], $0x2FFFF;
	_ =	strace $0x9FFFFFFF  }
0xc2: {  	(tm) =	ssettm $0x7FFFFFFF  }
0xc3: {  	_ =	shalt  }
tec
execute0_lowered:
.L_overlay_start_1:
0x0: {  	(tag) =	ssettag $0x1  }
0x1: {  	s0 =	rddreg [dreg:$0x0]  }
0x2: {  	s11 =	rddreg [dreg:$0x1]  }
0x3: {  	s1 =	srdreg.scid;
	s10 =	stileid.u32  }
0x4: {  	s3 =	simm.s32 $0x0;
	s13 =	simm.s32 $0x80;
	s14 =	simm.s32 $0x640  }
0x5: {  	s15 =	simm.s32 $0x48;
	s30 =	simm.s32 $0x2;
	s16 =	simm.s32 $0x13240  }
0x6: {  	s17 =	simm.s32 $0x530;
	s18 =	simm.s32 $0x15240;
	s19 =	simm.s32 $0x578  }
0x7: {  	s20 =	simm.s32 $0x16440;
	s21 =	simm.s32 $0x5F8;
	s22 =	simm.s32 $0x18440  }
0x8: {  	s1 =	sand.u32 $0x1, s1;
	s2 =	sshll.u32 s10, $0xA;
	s8 =	smul.u32 $0x6400, s10  }
0x9: {  	[smem:$0x7FF] =	sst s3;
	s7 =	sadd.s32 $0x800, s0;
	s10 =	smul.u32 $0x190000, s10  }
0xa: {  	s4 =	sshll.u32 s1, $0x9;
	_ =	strace $0x80000047;
	s9 =	smul.u32 $0x3200, s1  }
0xb: {  	s6 =	ssub.s32 $0x2, s1;
	s1 =	smul.u32 $0xC8000, s1;
	s2 =	sor.u32 s4, s2  }
0xc: {  	s4 =	sadd.s32 $0x64800, s0;
	s23 =	sshrl.u32 s6, $0x1;
	s26 =	sadd.s32 s8, s7  }
0xd: {  	s28 =	sadd.s32 s10, s11;
	s8 =	simm.s32 $0x3E8;
	s5 =	smul.u32 $0x19, s2  }
0xe: {  	s10 =	simm.s32 $0x468;
	s2 =	smul.u32 $0x3200, s2;
	s0 =	ssub.s32 s6, s23  }
0xf: {  	s9 =	sadd.s32 s9, s26;
	s31 =	sadd.s32 s1, s28;
	s1 =	simm.s32 $0x3A0  }
0x10: {  	s23 =	simm.s32 $0x3;
	s26 =	simm.s32 $0x0;
	s0 =	smax.u32 s0, $0x1  }
0x11: {  	[dreg:$0x7] =	wrdreg s31;
	s24 =	sshrl.u32 s2, $0x3;
	s12 =	sadd.s32 s7, s5  }
.Ltmp0:
0x12: {  	[dreg:$0x5] =	wrdreg s0;
	s29 =	sadd.s32 $0xFFFF3800, s2;
	(pc) =	sbr.rel .LBB2_1-.Ltmp0, $4  }
0x13: {  	s0 =	simm.s32 $0xCE40;
	s7 =	simm.s32 $0xEE40;
	s2 =	simm.s32 $0x4B0  }
0x14: {  	s25 =	sadd.s32 s11, s24;
	[dreg:$0x3] =	wrdreg s12;
	s6 =	sadd.s32 $0x64, s12  }
0x15: {  	[dreg:$0x6] =	wrdreg s29;
	s12 =	simm.s32 $0x1;
	s5 =	sadd.s32 $0xC6700, s25  }
0x16: {  	s11 =	simm.s32 $0x12040;
	[dreg:$0x4] =	wrdreg s5;
	s5 =	simm.s32 $0x10040  }
.LBB2_4:
0x17: {  	s24 =	simm.s32 $0x4  }
0x18: {  	_ =	swait.ge [sflag:s24], $0x2000  }
0x19: {  	[sflag:s24] =	ssyncset.done $0x0  }
0x1a: {  	[sflag:s24] =	ssyncadd.s32 $0xFFFFE000  }
0x1b: {  	_ =	swait.ge [sflag:s24], $0x1200  }
0x1c: {  	[sflag:s24] =	ssyncset.done $0x0  }
0x1d: {  	[sflag:s24] =	ssyncadd.s32 $0xFFFFEE00  }
0x1e: {  	_ =	swait.ge [sflag:s24], $0x2000  }
0x1f: {  	[sflag:s24] =	ssyncset.done $0x0  }
0x20: {  	[sflag:s24] =	ssyncadd.s32 $0xFFFFE000  }
0x21: {  	_ =	swait.ge [sflag:s24], $0x1200  }
0x22: {  	[sflag:s24] =	ssyncset.done $0x0  }
0x23: {  	[sflag:s24] =	ssyncadd.s32 $0xFFFFEE00  }
0x24: {  	_ =	swait.ge [sflag:s24], $0x2000  }
0x25: {  	[sflag:s24] =	ssyncset.done $0x0  }
0x26: {  	[sflag:s24] =	ssyncadd.s32 $0xFFFFE000  }
0x27: {  	_ =	swait.ge [sflag:s24], $0x1200  }
0x28: {  	[sflag:s24] =	ssyncset.done $0x0  }
0x29: {  	[sflag:s24] =	ssyncadd.s32 $0xFFFFEE00  }
0x2a: {  	_ =	swait.ge [sflag:s24], $0x2000  }
0x2b: {  	[sflag:s24] =	ssyncset.done $0x0  }
0x2c: {  	[sflag:s24] =	ssyncadd.s32 $0xFFFFE000  }
0x2d: {  	_ =	swait.ge [sflag:s24], $0x1200  }
0x2e: {  	[sflag:s24] =	ssyncset.done $0x0  }
0x2f: {  	s29 =	simm.s32 $0x5;
	s28 =	rddreg [dreg:$0x4];
	[sflag:s24] =	ssyncadd.s32 $0xFFFFEE00  }
0x30: {  	[hbm4b:s28+s3] =	stream.linear.scatter [tilespmem:s0], [sflag:$0x6], $0xC800, $0x38;
	[tilespmem:$0x19640] =	vst v63  }
0x31: {  	_ =	swait.ge [sflag:s29], $0xC800  }
0x32: {  	[sflag:s29] =	ssyncset.done $0x0  }
0x33: {  	s25 =	simm.s32 $0x6;
	[sflag:s29] =	ssyncadd.s32 $0xFFFF3800  }
0x34: {  	_ =	swait.ge [sflag:s25], $0xC800  }
0x35: {  	s26 =	rddreg [dreg:$0x8]  }
0x36: {  	s31 =	rddreg [dreg:$0x5];
	s26 =	sadd.s32 $0x1, s26  }
0x37: {  	p0 =	sne.s32 s26, s31  }
.Ltmp1:
0x38: {  	_ = 	snop;
	(pc) =	sbr.rel @!p0 .LBB2_5-.Ltmp1, $3  }
0x39: {  	_ =	sdelay $0x1  }
0x3a: {  	[sflag:s25] =	ssyncset.done $0x0  }
0x3b: {  	[sflag:s25] =	ssyncadd.s32 $0xFFFF3800  }
.LBB2_1:
0x3c: {  	[dreg:$0x8] =	wrdreg s26  }
0x3d: {  	s24 =	rddreg [dreg:$0x3]  }
0x3e: {  	s25 =	rddreg [dreg:$0x6]  }
0x3f: {  	[tilespmem:s3], [sflag:$0x1] =	stream.linear.gather [hbm4b:s24+s3], $0x320, $0x38;
	[tilespmem:$0x19640] =	vst v63  }
0x40: {  	s26 =	simm.s32 $0x0;
	s24 =	rddreg [dreg:$0x7]  }
.LBB2_2:
0x41: {  	p0 =	seq.s32 s26, $0x0  }
0x42: {  	s28 =	simm.s32 @!p0 $0x5  }
0x43: {  	_ =	swait.ge @!p0 [sflag:s28], $0xC800  }
0x44: {  	[sflag:s28] =	ssyncset.done @!p0 $0x0  }
0x45: {  	[sflag:s28] =	ssyncadd.s32 @!p0 $0xFFFF3800  }
0x46: {  	_ =	swait.ge [sflag:s12], $0x320  }
0x47: {  	[sflag:s12] =	ssyncset.done $0x0  }
0x48: {  	[sflag:s12] =	ssyncadd.s32 $0xFFFFFCE0  }
0x49: {  	[tilespmem:s14], [sflag:$0x3] =	stream.indirect.gather [hbm4b:s4+s13], $0x40, s3, s13, $0xb8;
	[tilespmem:$0x19640] =	vst v63  }
0x4a: {  	s29 =	simm.s32 $0x2640  }
0x4b: {  	[tilespmem:s29], [sflag:$0x3] =	stream.indirect.gather [hbm4b:s4+s15], $0x40, s13, s15, $0xb8;
	[tilespmem:$0x19640] =	vst v63  }
0x4c: {  	s31 =	simm.s32 $0xC8;
	s29 =	simm.s32 $0x3840  }
0x4d: {  	[tilespmem:s29], [sflag:$0x3] =	stream.indirect.gather [hbm4b:s4+s13], $0x40, s31, s13, $0xb8;
	[tilespmem:$0x19640] =	vst v63  }
0x4e: {  	s28 =	simm.s32 $0x148;
	s31 =	simm.s32 $0x5840  }
0x4f: {  	[tilespmem:s31], [sflag:$0x3] =	stream.indirect.gather [hbm4b:s4+s15], $0x40, s28, s15, $0xb8;
	[tilespmem:$0x19640] =	vst v63  }
0x50: {  	s28 =	simm.s32 $0x190;
	s31 =	simm.s32 $0x6A40  }
0x51: {  	[tilespmem:s31], [sflag:$0x3] =	stream.indirect.gather [hbm4b:s4+s13], $0x40, s28, s13, $0xb8;
	[tilespmem:$0x19640] =	vst v63  }
0x52: {  	s28 =	simm.s32 $0x210;
	s31 =	simm.s32 $0x8A40  }
0x53: {  	[tilespmem:s31], [sflag:$0x3] =	stream.indirect.gather [hbm4b:s4+s15], $0x40, s28, s15, $0xb8;
	[tilespmem:$0x19640] =	vst v63  }
0x54: {  	s28 =	simm.s32 $0x258;
	s31 =	simm.s32 $0x9C40  }
0x55: {  	[tilespmem:s31], [sflag:$0x3] =	stream.indirect.gather [hbm4b:s4+s13], $0x40, s28, s13, $0xb8;
	[tilespmem:$0x19640] =	vst v63  }
0x56: {  	s28 =	simm.s32 $0x2D8;
	s31 =	simm.s32 $0xBC40  }
0x57: {  	[tilespmem:s31], [sflag:$0x3] =	stream.indirect.gather [hbm4b:s4+s15], $0x40, s28, s15, $0xb8;
	[tilespmem:$0x19640] =	vst v63  }
0x58: {  	s29 =	simm.s32 @p0 $0x320;
	s28 =	simm.s32 @p0 $0x0  }
0x59: {  	[tilespmem:s29], [sflag:$0x2] =	stream.linear.gather @p0 [hbm4b:s6+s28], $0x320, $0x38;
	[tilespmem:$0x19640] =	vst v63  }
0x5a: {  	s28 =	simm.s32 @!p0 $0x4  }
0x5b: {  	_ =	swait.ge @!p0 [sflag:s28], $0x2000  }
0x5c: {  	[sflag:s28] =	ssyncset.done @!p0 $0x0  }
0x5d: {  	[sflag:s28] =	ssyncadd.s32 @!p0 $0xFFFFE000  }
0x5e: {  	_ =	swait.ge @!p0 [sflag:s28], $0x1200  }
0x5f: {  	[sflag:s28] =	ssyncset.done @!p0 $0x0  }
0x60: {  	[sflag:s28] =	ssyncadd.s32 @!p0 $0xFFFFEE00  }
0x61: {  	_ =	swait.ge @!p0 [sflag:s28], $0x2000  }
0x62: {  	[sflag:s28] =	ssyncset.done @!p0 $0x0  }
0x63: {  	[sflag:s28] =	ssyncadd.s32 @!p0 $0xFFFFE000  }
0x64: {  	_ =	swait.ge @!p0 [sflag:s28], $0x1200  }
0x65: {  	[sflag:s28] =	ssyncset.done @!p0 $0x0  }
0x66: {  	[sflag:s28] =	ssyncadd.s32 @!p0 $0xFFFFEE00  }
0x67: {  	_ =	swait.ge @!p0 [sflag:s28], $0x2000  }
0x68: {  	[sflag:s28] =	ssyncset.done @!p0 $0x0  }
0x69: {  	[sflag:s28] =	ssyncadd.s32 @!p0 $0xFFFFE000  }
0x6a: {  	_ =	swait.ge @!p0 [sflag:s28], $0x1200  }
0x6b: {  	[sflag:s28] =	ssyncset.done @!p0 $0x0  }
0x6c: {  	[sflag:s28] =	ssyncadd.s32 @!p0 $0xFFFFEE00  }
0x6d: {  	_ =	swait.ge @!p0 [sflag:s28], $0x2000  }
0x6e: {  	[sflag:s28] =	ssyncset.done @!p0 $0x0  }
0x6f: {  	[sflag:s28] =	ssyncadd.s32 @!p0 $0xFFFFE000  }
0x70: {  	_ =	swait.ge @!p0 [sflag:s28], $0x1200  }
0x71: {  	[sflag:s28] =	ssyncset.done @!p0 $0x0  }
0x72: {  	[sflag:s28] =	ssyncadd.s32 @!p0 $0xFFFFEE00  }
0x73: {  	s28 =	sshrl.u32 @!p0 s25, $0x3;
	s29 =	rddreg [dreg:$0x1]  }
0x74: {  	s31 =	simm.s32 @!p0 $0xCE40;
	s28 =	sadd.s32 @!p0 s29, s28;
	s29 =	simm.s32 @!p0 $0x0  }
0x75: {  	[hbm4b:s28+s29] =	stream.linear.scatter @!p0 [tilespmem:s31], [sflag:$0x6], $0xC800, $0x38;
	[tilespmem:$0x19640] =	vst v63  }
0x76: {  	s28 =	sadd.s32 @!p0 s26, s9  }
0x77: {  	s31 =	simm.s32 @!p0 $0x320;
	s28 =	sadd.s32 @!p0 $0x64, s28  }
0x78: {  	[tilespmem:s31], [sflag:$0x2] =	stream.linear.gather @!p0 [hbm4b:s28+s29], $0x320, $0x38;
	[tilespmem:$0x19640] =	vst v63  }
0x79: {  	s28 =	simm.s32 @!p0 $0x6  }
0x7a: {  	_ =	swait.ge @!p0 [sflag:s28], $0xC800  }
0x7b: {  	[sflag:s28] =	ssyncset.done @!p0 $0x0  }
0x7c: {  	[sflag:s28] =	ssyncadd.s32 @!p0 $0xFFFF3800  }
0x7d: {  	_ =	swait.ge [sflag:s30], $0x320  }
0x7e: {  	[sflag:s30] =	ssyncset.done $0x0  }
0x7f: {  	s31 =	simm.s32 $0x320;
	[sflag:s30] =	ssyncadd.s32 $0xFFFFFCE0  }
0x80: {  	[tilespmem:s0], [sflag:$0x4] =	stream.indirect.gather [hbm4b:s4+s13], $0x40, s31, s13, $0xb8;
	[tilespmem:$0x19640] =	vst v63  }
0x81: {  	_ = 	snop  }
0x82: {  	[tilespmem:s7], [sflag:$0x4] =	stream.indirect.gather [hbm4b:s4+s15], $0x40, s1, s15, $0xb8;
	[tilespmem:$0x19640] =	vst v63  }
0x83: {  	_ = 	snop  }
0x84: {  	[tilespmem:s5], [sflag:$0x4] =	stream.indirect.gather [hbm4b:s4+s13], $0x40, s8, s13, $0xb8;
	[tilespmem:$0x19640] =	vst v63  }
0x85: {  	_ = 	snop  }
0x86: {  	[tilespmem:s11], [sflag:$0x4] =	stream.indirect.gather [hbm4b:s4+s15], $0x40, s10, s15, $0xb8;
	[tilespmem:$0x19640] =	vst v63  }
0x87: {  	_ = 	snop  }
0x88: {  	[tilespmem:s16], [sflag:$0x4] =	stream.indirect.gather [hbm4b:s4+s13], $0x40, s2, s13, $0xb8;
	[tilespmem:$0x19640] =	vst v63  }
0x89: {  	_ = 	snop  }
0x8a: {  	[tilespmem:s18], [sflag:$0x4] =	stream.indirect.gather [hbm4b:s4+s15], $0x40, s17, s15, $0xb8;
	[tilespmem:$0x19640] =	vst v63  }
0x8b: {  	_ = 	snop  }
0x8c: {  	[tilespmem:s20], [sflag:$0x4] =	stream.indirect.gather [hbm4b:s4+s13], $0x40, s19, s13, $0xb8;
	[tilespmem:$0x19640] =	vst v63  }
0x8d: {  	_ = 	snop  }
0x8e: {  	[tilespmem:s22], [sflag:$0x4] =	stream.indirect.gather [hbm4b:s4+s15], $0x40, s21, s15, $0xb8;
	[tilespmem:$0x19640] =	vst v63  }
0x8f: {  	_ =	swait.ge [sflag:s23], $0x2000  }
0x90: {  	[sflag:s23] =	ssyncset.done $0x0  }
0x91: {  	[sflag:s23] =	ssyncadd.s32 $0xFFFFE000  }
0x92: {  	_ =	swait.ge [sflag:s23], $0x1200  }
0x93: {  	[sflag:s23] =	ssyncset.done $0x0  }
0x94: {  	[sflag:s23] =	ssyncadd.s32 $0xFFFFEE00  }
0x95: {  	_ =	swait.ge [sflag:s23], $0x2000  }
0x96: {  	[sflag:s23] =	ssyncset.done $0x0  }
0x97: {  	[sflag:s23] =	ssyncadd.s32 $0xFFFFE000  }
0x98: {  	_ =	swait.ge [sflag:s23], $0x1200  }
0x99: {  	[sflag:s23] =	ssyncset.done $0x0  }
0x9a: {  	[sflag:s23] =	ssyncadd.s32 $0xFFFFEE00  }
0x9b: {  	_ =	swait.ge [sflag:s23], $0x2000  }
0x9c: {  	[sflag:s23] =	ssyncset.done $0x0  }
0x9d: {  	[sflag:s23] =	ssyncadd.s32 $0xFFFFE000  }
0x9e: {  	_ =	swait.ge [sflag:s23], $0x1200  }
0x9f: {  	[sflag:s23] =	ssyncset.done $0x0  }
0xa0: {  	[sflag:s23] =	ssyncadd.s32 $0xFFFFEE00  }
0xa1: {  	_ =	swait.ge [sflag:s23], $0x2000  }
0xa2: {  	p0 =	seq.s32 s26, $0x3138;
	[sflag:s23] =	ssyncset.done $0x0  }
.Ltmp2:
0xa3: {  	[sflag:s23] =	ssyncadd.s32 $0xFFFFE000;
	(pc) =	sbr.rel @p0 .LBB2_4-.Ltmp2, $4  }
0xa4: {  	_ =	swait.ge [sflag:s23], $0x1200  }
0xa5: {  	[sflag:s23] =	ssyncset.done $0x0  }
0xa6: {  	[sflag:s23] =	ssyncadd.s32 $0xFFFFEE00  }
0xa7: {  	[hbm4b:s24+s3] =	stream.linear.scatter [tilespmem:s14], [sflag:$0x5], $0xC800, $0x38;
	[tilespmem:$0x19640] =	vst v63  }
.Ltmp3:
0xa8: {  	(pc) =	sbr.rel .LBB2_2-.Ltmp3, $4  }
0xa9: {  	_ = 	snop  }
0xaa: {  	s28 =	sadd.s32 s26, s9;
	s26 =	sadd.s32 $0xC8, s26  }
0xab: {  	s25 =	sadd.s32 $0x19000, s25;
	s24 =	sadd.s32 $0x3200, s24;
	s28 =	sadd.s32 $0xC8, s28  }
0xac: {  	[tilespmem:s3], [sflag:$0x1] =	stream.linear.gather [hbm4b:s28+s3], $0x320, $0x38;
	[tilespmem:$0x19640] =	vst v63  }
.LBB2_5:
0xad: {  	_ =	sfence.sel $0x180000  }
0xae: {  	[bflag:$0x0] =	sbarrier.arrive $0xFFFF  }
0xaf: {  	_ =	strace $0x90000047  }
0xb0: {  	s0 =	stileid.u32;
	[bflag:$0x2] =	sbarrier.arrive $0xFFFF  }
0xb1: {  	p0 =	sne.s32 s0, $0x0;
	s0 =	rddreg [dreg:$0x2]  }
0xb2: {  	s0 =	sadd.s32 @!p0 $0x100000, s0  }
0xb3: {  	[sflag:s0] =	ssyncadd.tile.s32 @!p0 $0x1;
	_ =	shalt  }
.Lfunc_end2:
_tile_overlayer_lowered:
.L_overlay_start_2:
0xb4: {  	(tag) =	ssettag $0x2  }
0xb5: {  	s0 =	rddreg [dreg:$0x0];
	s2 =	stileid.u32  }
0xb6: {  	s1 =	rddreg [dreg:$0x1];
	p0 =	sne.s32 s2, $0x0  }
0xb7: {  	s3 =	rddreg [dreg:$0x2];
	[bflag:$0x3] =	sbarrier.arrive $0xFFFF;
	s2 =	simm.s32 @!p0 $0x1C07  }
0xb8: {  	[timem:s3], [sflag:s2] =	dma.local @!p0 [hbm:s0], s1  }
0xb9: {  	s0 =	simm.s32 @!p0 $0x7  }
0xba: {  	_ =	swait.ge @!p0 [sflag:s0], s1  }
0xbb: {  	s1 =	ssub.s32 @!p0 $0x0, s1;
	[sflag:s0] =	ssyncset.done @!p0 $0x0  }
0xbc: {  	[sflag:s0] =	ssyncadd.s32 @!p0 s1  }
0xbd: {  	[bflag:$0x3] =	sbarrier.arrive $0xFFFF  }
0xbe: {  	_ =	shalt  }

// kernel: sparse-core-data-format-call.cloned.1.call-start
scs
called_computation_lowered:
.L_overlay_start_0:
0x0: {  	s2 =	sld [smem:$0x3FD9]  }
0x1: {  	s3 =	sld [smem:$0x3FFE];
	_ =	sdelay $0x1  }
0x2: {  	s1 =	srdreg.scid  }
0x3: {  	s0 =	sand.u32 $0x1, s1  }
0x4: {  	s18 =	sshll.u32 s0, $0xA;
	s2 =	sadd.s32 s3, s2  }
0x5: {  	s2 =	sadd.s32 s2, s18  }
0x6: {  	[smem:$0x3FC6] =	sst s2  }
0x7: {  	_ = 	snop  }
0x8: {  	s2 =	sld [smem:$0x3FD0];
	(tm) =	ssettm $0x1  }
0x9: {  	s19 =	sld [smem:$0x3FFB];
	_ =	sdelay $0x3  }
0xa: {  	_ =	strace s19  }
0xb: {  	s3 =	sld [smem:$0x3FFC];
	_ =	sdelay $0x3  }
0xc: {  	_ =	strace s3  }
0xd: {  	s3 =	sld [smem:$0x3FFD];
	_ =	sdelay $0x3  }
0xe: {  	_ =	strace s3  }
0xf: {  	_ =	strace $0x8FFFFFFF  }
0x10: {  	s20 =	sld [smem:$0x3FDB];
	_ =	sdelay $0x1  }
0x11: {  	s4 =	simm.s32 $_scs_section_size  }
0x12: {  	s5 =	simm.s32 $_size__tile_overlayer_lowered;
	s6 =	simm.s32 $_tile_overlayer_lowered  }
0x13: {  	s23 =	simm.s32 $0x1BFF;
	s22 =	sshll.u32 s6, $0x1;
	s3 =	sadd.s32 s4, s20  }
0x14: {  	s7 =	simm.s32 $0x0;
	s21 =	sshll.u32 s5, $0x1;
	s5 =	sadd.s32 s22, s3  }
0x15: {  	[timem:s7], [sflag:s23] =	dma.local [hbm:s5], s21  }
0x16: {  	_ =	swait.ge [sflag:s23], s21  }
0x17: {  	s4 =	ssub.s32 $0x0, s21;
	[sflag:s23] =	ssyncset.done $0x0  }
0x18: {  	[sflag:s23] =	ssyncadd.s32 s4;
	_ =	sdelay $0x1  }
0x19: {  	s24 =	simm.s32 $0x1B8B  }
0x1a: {  	_ =	swait.ge [sflag:s24], $0x1  }
0x1b: {  	[sflag:s24] =	ssyncset.done $0x0  }
0x1c: {  	s26 =	simm.s32 $0x1B8E;
	s25 =	sld [smem:$0x3FFE];
	[sflag:s24] =	ssyncadd.s32 $0xFFFFFFFF  }
0x1d: {  	s27 =	simm.s32 $execute0_lowered;
	[smem:$0x3FD2] =	sst s26  }
0x1e: {  	s5 =	sshll.u32 s27, $0x1;
	_ =	strace $0x80000049;
	[dreg:$0x1] =	wrdreg $0xFFFFFFFF  }
0x1f: {  	s28 =	simm.s32 $_size_execute0_lowered;
	s3 =	sadd.s32 s3, s5;
	[dreg:$0x0] =	wrdreg $0x0  }
0x20: {  	s5 =	sshll.u32 s28, $0x1;
	[dreg:$0x2] =	wrdreg s3  }
0x21: {  	[dreg:$0x3] =	wrdreg s5  }
0x22: {  	[dreg:$0x4] =	wrdreg $0xC0  }
0x23: {  	_ =	task [dreg:s7], $0x5FFFF  }
0x24: {  	[dreg:$0x1] =	wrdreg $0xFFFFFFFF  }
0x25: {  	[dreg:$0x0] =	wrdreg $0x60  }
0x26: {  	[dreg:$0x2] =	wrdreg s25  }
0x27: {  	[dreg:$0x3] =	wrdreg s2  }
0x28: {  	[dreg:$0x4] =	wrdreg $0x9  }
0x29: {  	_ =	task.clear_ibuf [dreg:s7], $0x5FFFF;
	_ =	strace $0x90000049  }
0x2a: {  	s29 =	simm.s32 $0x9;
	_ =	strace $0x8000004B  }
0x2b: {  	_ =	swait.ge [sflag:s29], $0x1  }
0x2c: {  	[sflag:s29] =	ssyncadd.s32 $0xFFFFFFFF  }
0x2d: {  	_ =	strace $0x9000004B  }
0x2e: {  	_ =	sfence  }
0x2f: {  	s30 =	sld [smem:$0x0];
	_ =	sdelay $0x2  }
0x30: {  	s31 =	sshll.u32 s1, $0xD;
	s1 =	sshrl.u32 s1, $0x2  }
0x31: {  	s3 =	sand.u32 $0x4000, s31;
	s1 =	sadd.s32 s1, s30  }
0x32: {  	s0 =	sor.u32 s3, s0;
	s1 =	sshll.u32 s1, $0x11  }
0x33: {  	s0 =	sor.u32 s1, s0  }
0x34: {  	s0 =	sadd.s32 $0x8F2B, s0  }
0x35: {  	[sflag:s0] =	ssyncadd.remote.s32 $0x1  }
0x36: {  	_ =	sfence.sel $0xFFFF  }
0x37: {  	[dreg:$0x0] =	wrdreg $0xFFFFFFFF;
	(pc) =	sbr.abs _section_cstart, $3  }
0x38: {  	[dreg:$0x1] =	wrdreg $0xFFFFFFFF  }
0x39: {  	_ =	task.clear_ibuf [dreg:s7], $0x2FFFF;
	_ =	strace $0x9FFFFFFF  }
0x3a: {  	(tm) =	ssettm $0x7FFFFFFF  }
0x3b: {  	_ =	shalt  }
tec
execute0_lowered:
.L_overlay_start_1:
0x0: {  	(tag) =	ssettag $0x1  }
0x1: {  	s0 =	srdreg.scid  }
0x2: {  	s1 =	sshll.u32 s0, $0x4  }
0x3: {  	s0 =	stileid.u32;
	s1 =	sand.u32 $0x10, s1  }
0x4: {  	s1 =	sor.u32 s0, s1  }
0x5: {  	s6 =	rddreg [dreg:$0x0];
	s4 =	simm.s32 $0x1;
	s2 =	sshll.u32 s1, $0x7  }
0x6: {  	s7 =	simm.s32 $0x2;
	s12 =	simm.s32 $0x0;
	s1 =	ssub.s32 $0x4000, s2  }
0x7: {  	s8 =	simm.s32 $0x20000;
	s13 =	simm.s32 $0x0;
	s3 =	sand.u32 $0xF80, s1  }
0x8: {  	s9 =	simm.s32 $0x0;
	s5 =	sshrl.u32 s1, $0xC;
	p0 =	sne.s32 s3, $0x0  }
.Ltmp0:
0x9: {  	s1 =	rddreg [dreg:$0x2];
	s4 =	simm.s32 @!p0 $0x0;
	(pc) =	sbr.rel .LBB1_1-.Ltmp0, $4  }
0xa: {  	s11 =	simm.s32 $0x0;
	s3 =	rddreg [dreg:$0x1];
	s5 =	sadd.s32 s4, s5  }
0xb: {  	_ =	strace $0x8000004A;
	s4 =	simm.s32 $0x1;
	s5 =	smul.u32 $0xC8, s5  }
0xc: {  	s6 =	sadd.s32 $0x800, s6;
	s10 =	smov.u32 s2;
	[sflag:s4] =	ssyncpa.u1 $0x0  }
0xd: {  	p0 =	por $0x0, $0x0;
	[sflag:s7] =	ssyncpa.u1 $0x0;
	s7 =	sor.u32 $0x1, s5  }
.LBB1_4:
0xe: {  	s16 =	sshll.u32 s13, $0x3;
	s17 =	sand.u32 $0x78, s13  }
0xf: {  	s30 =	sand.u32 $0x1F800, s13;
	s12 =	sshll.u32 s12, $0x11;
	s16 =	sand.u32 $0x3C00, s16  }
0x10: {  	[tilespmem:s15+$0x810 ss:$0x81] =	vst.msk $0xffff, v2;
	s31 =	sand.u32 $0x7, s13;
	s16 =	sor.u32 s17, s16;
	s17 =	sadd.s32 s3, s30  }
0x11: {  	[tilespmem:s15+$0x1020 ss:$0x81] =	vst.msk $0xffff, v0;
	s13 =	sshll.u32 s31, $0x12;
	s12 =	sadd.s32 s12, s17;
	s16 =	sshrl.u32 s16, $0x3  }
0x12: {  	[tilespmem:s15+$0x0 ss:$0x81] =	vst.msk $0xffff, v1;
	s13 =	sor.u32 $0x400, s13;
	s12 =	sadd.s32 s16, s12  }
0x13: {  	[hbm4b:s12+s13] =	stream.strided.scatter [tilespmem:s14], [sflag:$0x2], $0x2000, s8, s13, $0x20;
	[tilespmem:$0x8080] =	vst v63  }
.LBB1_5:
0x14: {  	s14 =	sadd.s32 $0x1, s9  }
0x15: {  	s12 =	sadd.s32 $0x1000, s10;
	s16 =	smov.u32 s10;
	p2 =	sgt.s32 s14, $0xC7  }
0x16: {  	s16 =	smov.u32 @p2 s12  }
0x17: {  	s14 =	simm.s32 @p2 $0x0;
	p2 =	sgt.s32 s16, $0x3FFF  }
0x18: {  	s16 =	smov.u32 @p2 s2;
	p2 =	sne.s32 s11, s7  }
.Ltmp1:
0x19: {  	p1 =	slt.u32 s11, $0x2;
	(pc) =	sbr.rel @!p2 .LBB1_6-.Ltmp1, $4  }
0x1a: {  	s15 =	simm.s32 @!p1 $0x2  }
0x1b: {  	s13 =	smov.u32 s10;
	p0 =	por !p0, !p0;
	_ =	swait.ge @!p1 [sflag:s15], $0x2000  }
0x1c: {  	s12 =	smov.u32 s9;
	[sflag:s15] =	ssyncset.done @!p1 $0x0;
	s9 =	smov.u32 s14  }
0x1d: {  	s11 =	sadd.s32 $0x1, s11;
	[sflag:s15] =	ssyncadd.s32 @!p1 $0xFFFFE000;
	s10 =	smov.u32 s16  }
.LBB1_1:
0x1e: {  	p1 =	sge.u32 s11, s5  }
0x1f: {  	s14 =	sand.u32 @!p1 $0x1FFFFFF, s9  }
0x20: {  	s15 =	smulhi.u32 @!p1 $0x147AE15, s14;
	_ =	sdelay $0x1  }
0x21: {  	s15 =	smul.u32 @!p1 $0xC8, s15  }
0x22: {  	s16 =	sxor.u32 @!p1 $0xFFFFFFFF, s11;
	s17 =	smul.u32 @!p1 $0xC80, s10  }
0x23: {  	s31 =	sadd.s32 $0xFFFFFFFF, s11;
	s16 =	sshll.u32 @!p1 s16, $0xD;
	s14 =	ssub.s32 @!p1 s14, s15  }
0x24: {  	s15 =	sand.u32 @!p1 $0x2000, s16;
	s16 =	sadd.s32 @!p1 s6, s17;
	s14 =	sshll.u32 @!p1 s14, $0x4  }
0x25: {  	s17 =	simm.s32 @!p1 $0x6400;
	s14 =	sadd.s32 @!p1 s14, s16;
	s16 =	simm.s32 @!p1 $0x40  }
0x26: {  	[tilespmem:s15], [sflag:$0x1] =	stream.strided.gather @!p1 [hbm4b:s14+s16], $0x2000, s17, s16, $0x38;
	[tilespmem:$0x8080] =	vst v63  }
0x27: {  	p1 =	sge.u32 s31, s5  }
.Ltmp2:
0x28: {  	_ = 	snop;
	(pc) =	sbr.rel @p1 .LBB1_5-.Ltmp2, $1  }
0x29: {  	_ =	sdelay $0x3  }
0x2a: {  	s14 =	simm.s32 $0x1  }
0x2b: {  	_ =	swait.ge [sflag:s4], $0x2000;
	s14 =	simm.s32 @!p0 $0x0  }
0x2c: {  	[sflag:s4] =	ssyncset.done $0x0;
	s15 =	sshll.u32 s14, $0xD  }
0x2d: {  	[sflag:s4] =	ssyncadd.s32 $0xFFFFE000;
	s18 =	sor.u32 $0x20, s15  }
0x2e: {  	s14 =	smul.u32 $0x8100, s14;
	v3 =	vld [tilespmem:s18+$0x10]  }
0x2f: {  	s30 =	sand.u32 $0x1, s11;
	v2 =	vld [tilespmem:s18+$0xFFFFFFF0]  }
0x30: {  	s15 =	smul.u32 $0x8100, s30;
	s14 =	sshrl.u32 s14, $0x2;
	v0 =	vld [tilespmem:s18+$0x0]  }
0x31: {  	v1 =	vld [tilespmem:s18+$0xFFFFFFE0];
	s16 =	sor.u32 $0x4000, s14  }
0x32: {  	s31 =	sshrl.u32 s15, $0x2;
	s15 =	sadd.s32 $0x0, s16  }
0x33: {  	s17 =	simm.s32 $0x4;
	s18 =	sadd.s32 $0x40, s18;
	s14 =	sor.u32 $0x4000, s31;
	[tilespmem:s15+$0x1830 ss:$0x81] =	vst.msk $0xffff, v3  }
.LBB1_3:
0x34: {  	v3 =	vld [tilespmem:s18+$0x10];
	p1 =	sne.s32 s17, $0x1FC;
	[tilespmem:s15+$0x810 ss:$0x81] =	vst.msk $0xffff, v2;
	s19 =	smov.u32 s17;
	s17 =	sadd.s32 $0x4, s17  }
.Ltmp3:
0x35: {  	v2 =	vld [tilespmem:s18+$0xFFFFFFF0];
	[tilespmem:s15+$0x1020 ss:$0x81] =	vst.msk $0xffff, v0;
	(pc) =	sbr.rel @p1 .LBB1_3-.Ltmp3, $4  }
0x36: {  	v0 =	vld [tilespmem:s18+$0x0];
	[tilespmem:s15+$0x0 ss:$0x81] =	vst.msk $0xffff, v1  }
0x37: {  	s15 =	sshra.s32 s19, $0x2;
	v1 =	vld [tilespmem:s18+$0xFFFFFFE0]  }
0x38: {  	s15 =	sadd.s32 s15, s16  }
0x39: {  	s18 =	sadd.s32 $0x40, s18;
	[tilespmem:s15+$0x1830 ss:$0x81] =	vst.msk $0xffff, v3  }
.Ltmp4:
0x3a: {  	_ = 	snop;
	(pc) =	sbr.rel .LBB1_4-.Ltmp4, $1  }
0x3b: {  	_ =	sdelay $0x3  }
.LBB1_6:
0x3c: {  	_ =	sfence.sel $0x180000  }
0x3d: {  	s2 =	simm.s32 $0x1;
	[bflag:$0x0] =	sbarrier.arrive $0xFFFF  }
0x3e: {  	s31 =	simm.s32 $0x2;
	[sflag:s2] =	ssyncpa.u1 $0x1  }
0x3f: {  	[sflag:s31] =	ssyncpa.u1 $0x1  }
0x40: {  	p0 =	sne.s32 s0, $0x0;
	_ =	strace $0x9000004A  }
0x41: {  	s0 =	sadd.s32 @!p0 $0x100000, s1;
	[bflag:$0x2] =	sbarrier.arrive $0xFFFF  }
0x42: {  	[sflag:s0] =	ssyncadd.tile.s32 @!p0 $0x1;
	_ =	shalt  }
.Lfunc_end1:
_tile_overlayer_lowered:
.L_overlay_start_2:
0x43: {  	(tag) =	ssettag $0x2  }
0x44: {  	s0 =	rddreg [dreg:$0x0];
	s2 =	stileid.u32  }
0x45: {  	s1 =	rddreg [dreg:$0x1];
	p0 =	sne.s32 s2, $0x0  }
0x46: {  	s3 =	rddreg [dreg:$0x2];
	[bflag:$0x3] =	sbarrier.arrive $0xFFFF;
	s2 =	simm.s32 @!p0 $0x1C01  }
0x47: {  	[timem:s3], [sflag:s2] =	dma.local @!p0 [hbm:s0], s1  }
0x48: {  	s0 =	simm.s32 @!p0 $0x1  }
0x49: {  	_ =	swait.ge @!p0 [sflag:s0], s1  }
0x4a: {  	s1 =	ssub.s32 @!p0 $0x0, s1;
	[sflag:s0] =	ssyncset.done @!p0 $0x0  }
0x4b: {  	[sflag:s0] =	ssyncadd.s32 @!p0 s1  }
0x4c: {  	[bflag:$0x3] =	sbarrier.arrive $0xFFFF  }
0x4d: {  	_ =	shalt  }

</sc_bundles>
